<compile_context>
chip_gen: v7x
topology: tpu7x:2x2x1
jax: 0.10.2.dev20260603
libtpu: 0.0.44.dev20260713+nightly
codegen_flags: <defaults>
</compile_context>

<pallas_src>
import functools

import jax
import jax.numpy as jnp
from jax import lax
from jax.experimental import pallas as pl
from jax.experimental.pallas import tpu as pltpu
from jax.experimental.pallas import tpu_sc as plsc

N = 10000
E = 320000
D = 128

NC = 2
NS = 16
NW = NC * NS
EPW = E // NW
CH = 80
NG = 5
NCG = 25
RPT = 640
RPT_LAST = N - 15 * RPT
BLK = 1000
GRID = N // BLK


def _seg_body(y_hbm, src_hbm, dst_hbm, zeros_hbm, out_hbm,
              src_v, eff_v, rows0_v, rows1_v, rows2_v, acc,
              sem0, sem1, sem2):
    cid = lax.axis_index("c")
    sid = lax.axis_index("s")
    wid = sid * NC + cid

    @pl.when(sid < 15)
    def _zero_main():
        pltpu.sync_copy(zeros_hbm, acc.at[pl.ds(sid * RPT, RPT)])

    @pl.when(sid == 15)
    def _zero_tail():
        pltpu.sync_copy(zeros_hbm.at[pl.ds(0, RPT_LAST + 8)],
                        acc.at[pl.ds(15 * RPT, RPT_LAST + 8)])

    plsc.subcore_barrier()

    def _group(g, g0):
        pltpu.sync_copy(src_hbm.at[wid, g], src_v)
        pltpu.sync_copy(dst_hbm.at[wid, g], eff_v)

        def _remap(r):
            def _remap_vec(c, c1):
                s = src_v[r, pl.ds(c * 16, 16)]
                d = eff_v[r, pl.ds(c * 16, 16)]
                eff_v[r, pl.ds(c * 16, 16)] = jnp.where(s == d, N, d)
                return c1
            lax.fori_loop(0, CH // 16, _remap_vec, 0)

        bufs = ((rows0_v, sem0), (rows1_v, sem1), (rows2_v, sem2))
        for b, (rows, sem) in enumerate(bufs):
            pltpu.async_copy(y_hbm.at[src_v.at[b]], rows, sem)

        def _triple(i, c0):
            for b, (rows, sem) in enumerate(bufs):
                c = 3 * i + b

                @pl.when(c <= NCG - 1)
                def _do(c=c, rows=rows, sem=sem):
                    _remap(c)
                    pltpu.make_async_copy(y_hbm.at[src_v.at[c]], rows,
                                          sem).wait()
                    pltpu.sync_copy(rows, acc.at[eff_v.at[c]], add=True)

                    @pl.when(c + 3 <= NCG - 1)
                    def _next():
                        pltpu.async_copy(y_hbm.at[src_v.at[c + 3]], rows,
                                         sem)
            return c0
        lax.fori_loop(0, (NCG + 2) // 3, _triple, 0)
        return g0
    lax.fori_loop(0, NG, _group, 0)

    plsc.subcore_barrier()

    @pl.when(sid < 15)
    def _pub_main():
        pltpu.sync_copy(acc.at[pl.ds(sid * RPT, RPT)],
                        out_hbm.at[pl.ds(cid * N + sid * RPT, RPT)])

    @pl.when(sid == 15)
    def _pub_tail():
        pltpu.sync_copy(acc.at[pl.ds(15 * RPT, RPT_LAST)],
                        out_hbm.at[pl.ds(cid * N + 15 * RPT, RPT_LAST)])


_seg_agg = pl.kernel(
    _seg_body,
    out_type=jax.ShapeDtypeStruct((2 * N, D), jnp.float32),
    mesh=plsc.VectorSubcoreMesh(core_axis_name="c", subcore_axis_name="s",
                                num_cores=NC, num_subcores=NS),
    scratch_types=[
        pltpu.VMEM((NCG, CH), jnp.int32),
        pltpu.VMEM((NCG, CH), jnp.int32),
        pltpu.VMEM((CH, D), jnp.float32),
        pltpu.VMEM((CH, D), jnp.float32),
        pltpu.VMEM((CH, D), jnp.float32),
        pltpu.VMEM_SHARED((N + 8, D), jnp.float32),
        pltpu.SemaphoreType.DMA,
        pltpu.SemaphoreType.DMA,
        pltpu.SemaphoreType.DMA,
    ],
)


def _mm_body(x_ref, w_ref, o_ref):
    o_ref[...] = jnp.dot(x_ref[...], w_ref[...],
                         preferred_element_type=jnp.float32)


def _fuse1_body(a0_ref, a1_ref, x_ref, wroot1_ref, b1_ref, wrel2_ref,
                wroot2_ref, y2_ref, r2_ref):
    t = (a0_ref[...] + a1_ref[...] + b1_ref[...]
         + jnp.dot(x_ref[...], wroot1_ref[...],
                   preferred_element_type=jnp.float32))
    h = jnp.maximum(t, 0.0)
    y2_ref[...] = jnp.dot(h, wrel2_ref[...],
                          preferred_element_type=jnp.float32)
    r2_ref[...] = jnp.dot(h, wroot2_ref[...],
                          preferred_element_type=jnp.float32)


def _fuse2_body(a0_ref, a1_ref, r2_ref, b2_ref, o_ref):
    o_ref[...] = a0_ref[...] + a1_ref[...] + r2_ref[...] + b2_ref[...]


_row_spec = pl.BlockSpec((BLK, D), lambda i: (i, 0))
_half2_spec = pl.BlockSpec((BLK, D), lambda i: (i + GRID, 0))
_w_spec = pl.BlockSpec((D, D), lambda i: (0, 0))
_b_spec = pl.BlockSpec((1, D), lambda i: (0, 0))

_mm = pl.pallas_call(
    _mm_body,
    grid=(GRID,),
    in_specs=[_row_spec, _w_spec],
    out_specs=_row_spec,
    out_shape=jax.ShapeDtypeStruct((N, D), jnp.float32),
)

_fuse1 = pl.pallas_call(
    _fuse1_body,
    grid=(GRID,),
    in_specs=[_row_spec, _half2_spec, _row_spec, _w_spec, _b_spec,
              _w_spec, _w_spec],
    out_specs=[_row_spec, _row_spec],
    out_shape=[jax.ShapeDtypeStruct((N, D), jnp.float32)] * 2,
)

_fuse2 = pl.pallas_call(
    _fuse2_body,
    grid=(GRID,),
    in_specs=[_row_spec, _half2_spec, _row_spec, _b_spec],
    out_specs=_row_spec,
    out_shape=jax.ShapeDtypeStruct((N, D), jnp.float32),
)


def kernel(x, edge_index, W_rel1, b_rel1, W_root1, W_rel2, b_rel2, W_root2):
    src3d = edge_index[0].reshape(NW, NG, NCG, CH)
    dst3d = edge_index[1].reshape(NW, NG, NCG, CH)
    zeros = jnp.zeros((RPT, D), jnp.float32)
    b1r = b_rel1.reshape(1, D)
    b2r = b_rel2.reshape(1, D)

    y1 = _mm(x, W_rel1)
    agg1 = _seg_agg(y1, src3d, dst3d, zeros)
    y2, r2 = _fuse1(agg1, agg1, x, W_root1, b1r, W_rel2, W_root2)
    agg2 = _seg_agg(y2, src3d, dst3d, zeros)
    out = _fuse2(agg2, agg2, r2, b2r)
    return out

# --- scband reference (transcript-rebuilt; emitter-appended) ---
"""Pipeline reference for scband-gcnencoder-68865505624262 (READ-ONLY COPY).

The authoritative reference and input builder live on the scoring server;
editing this copy changes nothing except your own understanding.
"""

import jax, jax.numpy as jnp
import numpy as np

N = 10000
E = 320000
D = 128
H = 128
O = 128


def setup_inputs(seed: int = 0) -> dict:
    key = jax.random.key(seed)
    ks = jax.random.split(key, 10)
    x = jax.random.normal(ks[0], (N, D), dtype=jnp.float32)
    edge_index = jax.random.randint(ks[1], (2, E), 0, N, dtype=jnp.int32)
    s = 0.05
    # GraphConv layer 1: lin_rel (with bias) applied to aggregated neighbors, lin_root (no bias) to self
    W_rel1 = jax.random.normal(ks[2], (D, H), dtype=jnp.float32) * s
    b_rel1 = jnp.zeros((H,), dtype=jnp.float32)
    W_root1 = jax.random.normal(ks[3], (D, H), dtype=jnp.float32) * s
    # GraphConv layer 2
    W_rel2 = jax.random.normal(ks[4], (H, O), dtype=jnp.float32) * s
    b_rel2 = jnp.zeros((O,), dtype=jnp.float32)
    W_root2 = jax.random.normal(ks[5], (H, O), dtype=jnp.float32) * s
    return {
        "x": x,
        "edge_index": edge_index,
        "W_rel1": W_rel1,
        "b_rel1": b_rel1,
        "W_root1": W_root1,
        "W_rel2": W_rel2,
        "b_rel2": b_rel2,
        "W_root2": W_root2,
    }


def reference(x, edge_index, W_rel1, b_rel1, W_root1, W_rel2, b_rel2, W_root2):
    src = edge_index[0]
    dst = edge_index[1]
    # remove_self_loops: zero out messages on self-loop edges (jit-friendly equivalent)
    mask = (src != dst).astype(x.dtype)

    def graph_conv(h, W_rel, b_rel, W_root):
        # message = x_j (sum aggregation over incoming edges at dst)
        m = jnp.take(h, src, axis=0) * mask[:, None]
        agg = jax.ops.segment_sum(m, dst, num_segments=N)
        # out = lin_rel(agg) + lin_root(x_i)
        return agg @ W_rel + b_rel + h @ W_root

    h1 = jax.nn.relu(graph_conv(x, W_rel1, b_rel1, W_root1))
    out = graph_conv(h1, W_rel2, b_rel2, W_root2)
    return out

if __name__ == "__main__":
    import jax
    _d = setup_inputs()
    print(jax.jit(kernel)(*tuple(_d.values())))

</pallas_src>

<mosaic_0001>
#map = affine_map<(d0, d1) -> (0, 0)>
#map1 = affine_map<(d0, d1) -> (0, 0, 0, 0)>
module attributes {stable_mosaic.version = 14 : i64} {
  func.func @_seg_body(%arg0: i32, %arg1: i32, %arg2: memref<10000x128xf32, #tpu.memory_space<hbm>>, %arg3: memref<32x5x25x80xi32, #tpu.memory_space<hbm>>, %arg4: memref<32x5x25x80xi32, #tpu.memory_space<hbm>>, %arg5: memref<640x128xf32, #tpu.memory_space<hbm>>, %arg6: memref<20000x128xf32, #tpu.memory_space<hbm>>, %arg7: memref<25x80xi32, #tpu.memory_space<vmem>>, %arg8: memref<25x80xi32, #tpu.memory_space<vmem>>, %arg9: memref<80x128xf32, #tpu.memory_space<vmem>>, %arg10: memref<80x128xf32, #tpu.memory_space<vmem>>, %arg11: memref<80x128xf32, #tpu.memory_space<vmem>>, %arg12: memref<10008x128xf32, #tpu.memory_space<vmem_shared>>, %arg13: memref<!tpu.dma_semaphore, #tpu.memory_space<semaphore_mem>>, %arg14: memref<!tpu.dma_semaphore, #tpu.memory_space<semaphore_mem>>, %arg15: memref<!tpu.dma_semaphore, #tpu.memory_space<semaphore_mem>>) attributes {dimension_semantics = [#tpu.dimension_semantics<core_parallel>, #tpu.dimension_semantics<subcore_parallel>], iteration_bounds = array<i64: 2, 16>, scalar_prefetch = 0 : i64, scratch_operands = 9 : i64, tpu.core_type = #tpu.core_type<sc_vector_subcore>, window_params = [{transform_indices = #map}, {transform_indices = #map1}, {transform_indices = #map1}, {transform_indices = #map}, {transform_indices = #map}]} {
    %mul3A = arith.constant 2 : i32
    %mul3A_0 = arith.muli %arg1, %mul3A : i32
    %add3A = arith.addi %mul3A_0, %arg0 : i32
    %lt3A = arith.constant 15 : i32
    %lt3A_1 = arith.cmpi slt, %arg1, %lt3A : i32
    %convert_element_type3A = arith.extui %lt3A_1 : i1 to i32
    %cond3A = arith.constant 0 : i32
    %cond3A_2 = arith.cmpi ne, %convert_element_type3A, %cond3A : i32
    scf.if %cond3A_2 {
      %mul3A_23 = arith.constant 640 : i32
      %mul3A_24 = arith.muli %arg1, %mul3A_23 : i32
      "tpu.region"() ({
        %run_scoped3A = tpu.sem_alloc : memref<!tpu.dma_semaphore, #tpu.memory_space<semaphore_mem>>
        %dma_start3A = arith.constant 0 : i32
        %dma_start3A_25 = tpu.memref_slice %arg12[%mul3A_24, %dma_start3A] : memref<10008x128xf32, #tpu.memory_space<vmem_shared>> -> memref<640x128xf32, #tpu.memory_space<vmem_shared>>
        tpu.enqueue_dma source(%arg5 : memref<640x128xf32, #tpu.memory_space<hbm>>) target(%dma_start3A_25 : memref<640x128xf32, #tpu.memory_space<vmem_shared>>) target_semaphore(%run_scoped3A : memref<!tpu.dma_semaphore, #tpu.memory_space<semaphore_mem>>)
        %dma_wait3A = arith.constant 0 : i32
        %dma_wait3A_26 = tpu.memref_slice %arg12[%mul3A_24, %dma_wait3A] : memref<10008x128xf32, #tpu.memory_space<vmem_shared>> -> memref<640x128xf32, #tpu.memory_space<vmem_shared>>
        tpu.wait_dma2 semaphore(%run_scoped3A : memref<!tpu.dma_semaphore, #tpu.memory_space<semaphore_mem>>) src(%arg5 : memref<640x128xf32, #tpu.memory_space<hbm>>) dst(%dma_wait3A_26 : memref<640x128xf32, #tpu.memory_space<vmem_shared>>)
        tpu.yield
      }) : () -> ()
    } else {
    }
    %eq3A = arith.constant 15 : i32
    %eq3A_3 = arith.cmpi eq, %arg1, %eq3A : i32
    %convert_element_type3A_4 = arith.extui %eq3A_3 : i1 to i32
    %cond3A_5 = arith.constant 0 : i32
    %cond3A_6 = arith.cmpi ne, %convert_element_type3A_4, %cond3A_5 : i32
    scf.if %cond3A_6 {
      "tpu.region"() ({
        %run_scoped3A = tpu.sem_alloc : memref<!tpu.dma_semaphore, #tpu.memory_space<semaphore_mem>>
        %dma_start3A = arith.constant 9600 : i32
        %dma_start3A_23 = arith.constant 0 : i32
        %dma_start3A_24 = tpu.memref_slice %arg12[%dma_start3A, %dma_start3A_23] : memref<10008x128xf32, #tpu.memory_space<vmem_shared>> -> memref<408x128xf32, #tpu.memory_space<vmem_shared>>
        %dma_start3A_25 = arith.constant 0 : i32
        %dma_start3A_26 = arith.constant 0 : i32
        %dma_start3A_27 = tpu.memref_slice %arg5[%dma_start3A_25, %dma_start3A_26] : memref<640x128xf32, #tpu.memory_space<hbm>> -> memref<408x128xf32, #tpu.memory_space<hbm>>
        tpu.enqueue_dma source(%dma_start3A_27 : memref<408x128xf32, #tpu.memory_space<hbm>>) target(%dma_start3A_24 : memref<408x128xf32, #tpu.memory_space<vmem_shared>>) target_semaphore(%run_scoped3A : memref<!tpu.dma_semaphore, #tpu.memory_space<semaphore_mem>>)
        %dma_wait3A = arith.constant 9600 : i32
        %dma_wait3A_28 = arith.constant 0 : i32
        %dma_wait3A_29 = tpu.memref_slice %arg12[%dma_wait3A, %dma_wait3A_28] : memref<10008x128xf32, #tpu.memory_space<vmem_shared>> -> memref<408x128xf32, #tpu.memory_space<vmem_shared>>
        %dma_wait3A_30 = arith.constant 0 : i32
        %dma_wait3A_31 = arith.constant 0 : i32
        %dma_wait3A_32 = tpu.memref_slice %arg5[%dma_wait3A_30, %dma_wait3A_31] : memref<640x128xf32, #tpu.memory_space<hbm>> -> memref<408x128xf32, #tpu.memory_space<hbm>>
        tpu.wait_dma2 semaphore(%run_scoped3A : memref<!tpu.dma_semaphore, #tpu.memory_space<semaphore_mem>>) src(%dma_wait3A_32 : memref<408x128xf32, #tpu.memory_space<hbm>>) dst(%dma_wait3A_29 : memref<408x128xf32, #tpu.memory_space<vmem_shared>>)
        tpu.yield
      }) : () -> ()
    } else {
    }
    %barrier3A = arith.constant 0 : index
    tpu.barrier barrier_id(%barrier3A)
    %scan3A = arith.constant 0 : i32
    %scan3A_7 = arith.constant 0 : i32
    %scan3A_8 = arith.constant 5 : i32
    %scan3A_9 = arith.addi %scan3A_7, %scan3A_8 : i32
    %scan3A_10 = arith.constant 1 : i32
    scf.for %scan3A_23 = %scan3A_7 to %scan3A_9 step %scan3A_10  : i32 {
      "tpu.region"() ({
        %run_scoped3A = tpu.sem_alloc : memref<!tpu.dma_semaphore, #tpu.memory_space<semaphore_mem>>
        %dma_start3A_50 = arith.constant 0 : i32
        %dma_start3A_51 = arith.constant 0 : i32
        %dma_start3A_52 = tpu.memref_slice %arg3[%add3A, %scan3A_23, %dma_start3A_50, %dma_start3A_51] : memref<32x5x25x80xi32, #tpu.memory_space<hbm>> -> memref<1x1x25x80xi32, #tpu.memory_space<hbm>>
        %dma_start3A_53 = tpu.memref_squeeze %dma_start3A_52 : memref<1x1x25x80xi32, #tpu.memory_space<hbm>> -> memref<25x80xi32, #tpu.memory_space<hbm>>
        %dma_start3A_54 = arith.constant 0 : i32
        %dma_start3A_55 = arith.constant 0 : i32
        %dma_start3A_56 = tpu.memref_slice %arg3[%add3A, %scan3A_23, %dma_start3A_54, %dma_start3A_55] : memref<32x5x25x80xi32, #tpu.memory_space<hbm>> -> memref<1x1x25x80xi32, #tpu.memory_space<hbm>>
        %dma_start3A_57 = tpu.memref_squeeze %dma_start3A_56 : memref<1x1x25x80xi32, #tpu.memory_space<hbm>> -> memref<25x80xi32, #tpu.memory_space<hbm>>
        tpu.enqueue_dma source(%dma_start3A_57 : memref<25x80xi32, #tpu.memory_space<hbm>>) target(%arg7 : memref<25x80xi32, #tpu.memory_space<vmem>>) target_semaphore(%run_scoped3A : memref<!tpu.dma_semaphore, #tpu.memory_space<semaphore_mem>>)
        %dma_wait3A = arith.constant 0 : i32
        %dma_wait3A_58 = arith.constant 0 : i32
        %dma_wait3A_59 = tpu.memref_slice %arg3[%add3A, %scan3A_23, %dma_wait3A, %dma_wait3A_58] : memref<32x5x25x80xi32, #tpu.memory_space<hbm>> -> memref<1x1x25x80xi32, #tpu.memory_space<hbm>>
        %dma_wait3A_60 = tpu.memref_squeeze %dma_wait3A_59 : memref<1x1x25x80xi32, #tpu.memory_space<hbm>> -> memref<25x80xi32, #tpu.memory_space<hbm>>
        %dma_wait3A_61 = arith.constant 0 : i32
        %dma_wait3A_62 = arith.constant 0 : i32
        %dma_wait3A_63 = tpu.memref_slice %arg3[%add3A, %scan3A_23, %dma_wait3A_61, %dma_wait3A_62] : memref<32x5x25x80xi32, #tpu.memory_space<hbm>> -> memref<1x1x25x80xi32, #tpu.memory_space<hbm>>
        %dma_wait3A_64 = tpu.memref_squeeze %dma_wait3A_63 : memref<1x1x25x80xi32, #tpu.memory_space<hbm>> -> memref<25x80xi32, #tpu.memory_space<hbm>>
        tpu.wait_dma2 semaphore(%run_scoped3A : memref<!tpu.dma_semaphore, #tpu.memory_space<semaphore_mem>>) src(%dma_wait3A_64 : memref<25x80xi32, #tpu.memory_space<hbm>>) dst(%arg7 : memref<25x80xi32, #tpu.memory_space<vmem>>)
        tpu.yield
      }) : () -> ()
      "tpu.region"() ({
        %run_scoped3A = tpu.sem_alloc : memref<!tpu.dma_semaphore, #tpu.memory_space<semaphore_mem>>
        %dma_start3A_50 = arith.constant 0 : i32
        %dma_start3A_51 = arith.constant 0 : i32
        %dma_start3A_52 = tpu.memref_slice %arg4[%add3A, %scan3A_23, %dma_start3A_50, %dma_start3A_51] : memref<32x5x25x80xi32, #tpu.memory_space<hbm>> -> memref<1x1x25x80xi32, #tpu.memory_space<hbm>>
        %dma_start3A_53 = tpu.memref_squeeze %dma_start3A_52 : memref<1x1x25x80xi32, #tpu.memory_space<hbm>> -> memref<25x80xi32, #tpu.memory_space<hbm>>
        %dma_start3A_54 = arith.constant 0 : i32
        %dma_start3A_55 = arith.constant 0 : i32
        %dma_start3A_56 = tpu.memref_slice %arg4[%add3A, %scan3A_23, %dma_start3A_54, %dma_start3A_55] : memref<32x5x25x80xi32, #tpu.memory_space<hbm>> -> memref<1x1x25x80xi32, #tpu.memory_space<hbm>>
        %dma_start3A_57 = tpu.memref_squeeze %dma_start3A_56 : memref<1x1x25x80xi32, #tpu.memory_space<hbm>> -> memref<25x80xi32, #tpu.memory_space<hbm>>
        tpu.enqueue_dma source(%dma_start3A_57 : memref<25x80xi32, #tpu.memory_space<hbm>>) target(%arg8 : memref<25x80xi32, #tpu.memory_space<vmem>>) target_semaphore(%run_scoped3A : memref<!tpu.dma_semaphore, #tpu.memory_space<semaphore_mem>>)
        %dma_wait3A = arith.constant 0 : i32
        %dma_wait3A_58 = arith.constant 0 : i32
        %dma_wait3A_59 = tpu.memref_slice %arg4[%add3A, %scan3A_23, %dma_wait3A, %dma_wait3A_58] : memref<32x5x25x80xi32, #tpu.memory_space<hbm>> -> memref<1x1x25x80xi32, #tpu.memory_space<hbm>>
        %dma_wait3A_60 = tpu.memref_squeeze %dma_wait3A_59 : memref<1x1x25x80xi32, #tpu.memory_space<hbm>> -> memref<25x80xi32, #tpu.memory_space<hbm>>
        %dma_wait3A_61 = arith.constant 0 : i32
        %dma_wait3A_62 = arith.constant 0 : i32
        %dma_wait3A_63 = tpu.memref_slice %arg4[%add3A, %scan3A_23, %dma_wait3A_61, %dma_wait3A_62] : memref<32x5x25x80xi32, #tpu.memory_space<hbm>> -> memref<1x1x25x80xi32, #tpu.memory_space<hbm>>
        %dma_wait3A_64 = tpu.memref_squeeze %dma_wait3A_63 : memref<1x1x25x80xi32, #tpu.memory_space<hbm>> -> memref<25x80xi32, #tpu.memory_space<hbm>>
        tpu.wait_dma2 semaphore(%run_scoped3A : memref<!tpu.dma_semaphore, #tpu.memory_space<semaphore_mem>>) src(%dma_wait3A_64 : memref<25x80xi32, #tpu.memory_space<hbm>>) dst(%arg8 : memref<25x80xi32, #tpu.memory_space<vmem>>)
        tpu.yield
      }) : () -> ()
      %dma_start3A = arith.constant 0 : i32
      %dma_start3A_24 = arith.constant 0 : i32
      %dma_start3A_25 = tpu.memref_slice %arg7[%dma_start3A, %dma_start3A_24] : memref<25x80xi32, #tpu.memory_space<vmem>> -> memref<1x80xi32, #tpu.memory_space<vmem>>
      %dma_start3A_26 = tpu.memref_squeeze %dma_start3A_25 : memref<1x80xi32, #tpu.memory_space<vmem>> -> memref<80xi32, #tpu.memory_space<vmem>>
      %dma_start3A_27 = arith.constant 0 : i32
      %dma_start3A_28 = arith.constant 0 : i32
      %dma_start3A_29 = tpu.memref_slice %arg2[%dma_start3A_27, %dma_start3A_28] : memref<10000x128xf32, #tpu.memory_space<hbm>> -> memref<10000x128xf32, #tpu.memory_space<hbm>>
      tpu.enqueue_indirect_dma source(%dma_start3A_29 : memref<10000x128xf32, #tpu.memory_space<hbm>>) target(%arg9 : memref<80x128xf32, #tpu.memory_space<vmem>>) offsets(%dma_start3A_26 : memref<80xi32, #tpu.memory_space<vmem>>) semaphore(%arg13 : memref<!tpu.dma_semaphore, #tpu.memory_space<semaphore_mem>>)
      %dma_start3A_30 = arith.constant 1 : i32
      %dma_start3A_31 = arith.constant 0 : i32
      %dma_start3A_32 = tpu.memref_slice %arg7[%dma_start3A_30, %dma_start3A_31] : memref<25x80xi32, #tpu.memory_space<vmem>> -> memref<1x80xi32, #tpu.memory_space<vmem>>
      %dma_start3A_33 = tpu.memref_squeeze %dma_start3A_32 : memref<1x80xi32, #tpu.memory_space<vmem>> -> memref<80xi32, #tpu.memory_space<vmem>>
      %dma_start3A_34 = arith.constant 0 : i32
      %dma_start3A_35 = arith.constant 0 : i32
      %dma_start3A_36 = tpu.memref_slice %arg2[%dma_start3A_34, %dma_start3A_35] : memref<10000x128xf32, #tpu.memory_space<hbm>> -> memref<10000x128xf32, #tpu.memory_space<hbm>>
      tpu.enqueue_indirect_dma source(%dma_start3A_36 : memref<10000x128xf32, #tpu.memory_space<hbm>>) target(%arg10 : memref<80x128xf32, #tpu.memory_space<vmem>>) offsets(%dma_start3A_33 : memref<80xi32, #tpu.memory_space<vmem>>) semaphore(%arg14 : memref<!tpu.dma_semaphore, #tpu.memory_space<semaphore_mem>>)
      %dma_start3A_37 = arith.constant 2 : i32
      %dma_start3A_38 = arith.constant 0 : i32
      %dma_start3A_39 = tpu.memref_slice %arg7[%dma_start3A_37, %dma_start3A_38] : memref<25x80xi32, #tpu.memory_space<vmem>> -> memref<1x80xi32, #tpu.memory_space<vmem>>
      %dma_start3A_40 = tpu.memref_squeeze %dma_start3A_39 : memref<1x80xi32, #tpu.memory_space<vmem>> -> memref<80xi32, #tpu.memory_space<vmem>>
      %dma_start3A_41 = arith.constant 0 : i32
      %dma_start3A_42 = arith.constant 0 : i32
      %dma_start3A_43 = tpu.memref_slice %arg2[%dma_start3A_41, %dma_start3A_42] : memref<10000x128xf32, #tpu.memory_space<hbm>> -> memref<10000x128xf32, #tpu.memory_space<hbm>>
      tpu.enqueue_indirect_dma source(%dma_start3A_43 : memref<10000x128xf32, #tpu.memory_space<hbm>>) target(%arg11 : memref<80x128xf32, #tpu.memory_space<vmem>>) offsets(%dma_start3A_40 : memref<80xi32, #tpu.memory_space<vmem>>) semaphore(%arg15 : memref<!tpu.dma_semaphore, #tpu.memory_space<semaphore_mem>>)
      %scan3A_44 = arith.constant 0 : i32
      %scan3A_45 = arith.constant 0 : i32
      %scan3A_46 = arith.constant 9 : i32
      %scan3A_47 = arith.addi %scan3A_45, %scan3A_46 : i32
      %scan3A_48 = arith.constant 1 : i32
      scf.for %scan3A_50 = %scan3A_45 to %scan3A_47 step %scan3A_48  : i32 {
        %mul3A_51 = arith.constant 3 : i32
        %mul3A_52 = arith.muli %mul3A_51, %scan3A_50 : i32
        %add3A_53 = arith.constant 0 : i32
        %add3A_54 = arith.addi %mul3A_52, %add3A_53 : i32
        %le3A = arith.constant 24 : i32
        %le3A_55 = arith.cmpi sle, %add3A_54, %le3A : i32
        %convert_element_type3A_56 = arith.extui %le3A_55 : i1 to i32
        %cond3A_57 = arith.constant 0 : i32
        %cond3A_58 = arith.cmpi ne, %convert_element_type3A_56, %cond3A_57 : i32
        scf.if %cond3A_58 {
          %scan3A_77 = arith.constant 0 : i32
          %scan3A_78 = arith.constant 0 : i32
          %scan3A_79 = arith.constant 5 : i32
          %scan3A_80 = arith.addi %scan3A_78, %scan3A_79 : i32
          %scan3A_81 = arith.constant 1 : i32
          scf.for %scan3A_95 = %scan3A_78 to %scan3A_80 step %scan3A_81  : i32 {
            %mul3A_96 = arith.constant 16 : i32
            %mul3A_97 = arith.muli %scan3A_95, %mul3A_96 : i32
            %get3A = arith.index_cast %add3A_54 : i32 to index
            %get3A_98 = arith.index_cast %mul3A_97 : i32 to index
            %get3A_99 = tpu.vector_load %arg7[%get3A, %get3A_98] {strides = array<i32>} : memref<25x80xi32, #tpu.memory_space<vmem>>, vector<1x16xi32>,
            %get3A_100 = vector.shape_cast %get3A_99 : vector<1x16xi32> to vector<16xi32>
            %mul3A_101 = arith.constant 16 : i32
            %mul3A_102 = arith.muli %scan3A_95, %mul3A_101 : i32
            %get3A_103 = arith.index_cast %add3A_54 : i32 to index
            %get3A_104 = arith.index_cast %mul3A_102 : i32 to index
            %get3A_105 = tpu.vector_load %arg8[%get3A_103, %get3A_104] {strides = array<i32>} : memref<25x80xi32, #tpu.memory_space<vmem>>, vector<1x16xi32>,
            %get3A_106 = vector.shape_cast %get3A_105 : vector<1x16xi32> to vector<16xi32>
            %eq3A_107 = arith.cmpi eq, %get3A_100, %get3A_106 : vector<16xi32>
            %jit3A = arith.constant 10000 : i32
            %broadcast_in_dim3A = vector.broadcast %jit3A : i32 to vector<16xi32>
            %select_n3A = arith.select %eq3A_107, %broadcast_in_dim3A, %get3A_106 : vector<16xi1>, vector<16xi32>
            %mul3A_108 = arith.constant 16 : i32
            %mul3A_109 = arith.muli %scan3A_95, %mul3A_108 : i32
            %swap3A = arith.index_cast %add3A_54 : i32 to index
            %swap3A_110 = arith.index_cast %mul3A_109 : i32 to index
            %swap3A_111 = tpu.vector_load %arg8[%swap3A, %swap3A_110] {strides = array<i32>} : memref<25x80xi32, #tpu.memory_space<vmem>>, vector<1x16xi32>,
            %swap3A_112 = vector.shape_cast %swap3A_111 : vector<1x16xi32> to vector<16xi32>
            %swap3A_113 = vector.shape_cast %select_n3A : vector<16xi32> to vector<1x16xi32>
            tpu.vector_store %arg8[%swap3A, %swap3A_110], %swap3A_113 {strides = array<i32>} : memref<25x80xi32, #tpu.memory_space<vmem>>, vector<1x16xi32>,
          }
          %scan3A_82 = arith.constant 5 : i32
          %dma_wait3A = arith.constant 0 : i32
          %dma_wait3A_83 = tpu.memref_slice %arg7[%add3A_54, %dma_wait3A] : memref<25x80xi32, #tpu.memory_space<vmem>> -> memref<1x80xi32, #tpu.memory_space<vmem>>
          %dma_wait3A_84 = tpu.memref_squeeze %dma_wait3A_83 : memref<1x80xi32, #tpu.memory_space<vmem>> -> memref<80xi32, #tpu.memory_space<vmem>>
          %dma_wait3A_85 = arith.constant 0 : i32
          %dma_wait3A_86 = arith.constant 0 : i32
          %dma_wait3A_87 = tpu.memref_slice %arg2[%dma_wait3A_85, %dma_wait3A_86] : memref<10000x128xf32, #tpu.memory_space<hbm>> -> memref<10000x128xf32, #tpu.memory_space<hbm>>
          tpu.wait_indirect_dma semaphore(%arg13 : memref<!tpu.dma_semaphore, #tpu.memory_space<semaphore_mem>>) src(%dma_wait3A_87 : memref<10000x128xf32, #tpu.memory_space<hbm>>) dst(%arg9 : memref<80x128xf32, #tpu.memory_space<vmem>>)
          "tpu.region"() ({
            %run_scoped3A = tpu.sem_alloc : memref<!tpu.dma_semaphore, #tpu.memory_space<semaphore_mem>>
            %dma_start3A_95 = arith.constant 0 : i32
            %dma_start3A_96 = tpu.memref_slice %arg8[%add3A_54, %dma_start3A_95] : memref<25x80xi32, #tpu.memory_space<vmem>> -> memref<1x80xi32, #tpu.memory_space<vmem>>
            %dma_start3A_97 = tpu.memref_squeeze %dma_start3A_96 : memref<1x80xi32, #tpu.memory_space<vmem>> -> memref<80xi32, #tpu.memory_space<vmem>>
            %dma_start3A_98 = arith.constant 0 : i32
            %dma_start3A_99 = arith.constant 0 : i32
            %dma_start3A_100 = tpu.memref_slice %arg12[%dma_start3A_98, %dma_start3A_99] : memref<10008x128xf32, #tpu.memory_space<vmem_shared>> -> memref<10008x128xf32, #tpu.memory_space<vmem_shared>>
            tpu.enqueue_indirect_dma source(%arg9 : memref<80x128xf32, #tpu.memory_space<vmem>>) target(%dma_start3A_100 : memref<10008x128xf32, #tpu.memory_space<vmem_shared>>) offsets(%dma_start3A_97 : memref<80xi32, #tpu.memory_space<vmem>>) semaphore(%run_scoped3A : memref<!tpu.dma_semaphore, #tpu.memory_space<semaphore_mem>>) {add = true}
            %dma_wait3A_101 = arith.constant 0 : i32
            %dma_wait3A_102 = tpu.memref_slice %arg8[%add3A_54, %dma_wait3A_101] : memref<25x80xi32, #tpu.memory_space<vmem>> -> memref<1x80xi32, #tpu.memory_space<vmem>>
            %dma_wait3A_103 = tpu.memref_squeeze %dma_wait3A_102 : memref<1x80xi32, #tpu.memory_space<vmem>> -> memref<80xi32, #tpu.memory_space<vmem>>
            %dma_wait3A_104 = arith.constant 0 : i32
            %dma_wait3A_105 = arith.constant 0 : i32
            %dma_wait3A_106 = tpu.memref_slice %arg12[%dma_wait3A_104, %dma_wait3A_105] : memref<10008x128xf32, #tpu.memory_space<vmem_shared>> -> memref<10008x128xf32, #tpu.memory_space<vmem_shared>>
            tpu.wait_indirect_dma semaphore(%run_scoped3A : memref<!tpu.dma_semaphore, #tpu.memory_space<semaphore_mem>>) src(%arg9 : memref<80x128xf32, #tpu.memory_space<vmem>>) dst(%dma_wait3A_106 : memref<10008x128xf32, #tpu.memory_space<vmem_shared>>)
            tpu.yield
          }) : () -> ()
          %add3A_88 = arith.constant 3 : i32
          %add3A_89 = arith.addi %add3A_54, %add3A_88 : i32
          %le3A_90 = arith.constant 24 : i32
          %le3A_91 = arith.cmpi sle, %add3A_89, %le3A_90 : i32
          %convert_element_type3A_92 = arith.extui %le3A_91 : i1 to i32
          %cond3A_93 = arith.constant 0 : i32
          %cond3A_94 = arith.cmpi ne, %convert_element_type3A_92, %cond3A_93 : i32
          scf.if %cond3A_94 {
            %add3A_95 = arith.constant 3 : i32
            %add3A_96 = arith.addi %add3A_54, %add3A_95 : i32
            %dma_start3A_97 = arith.constant 0 : i32
            %dma_start3A_98 = tpu.memref_slice %arg7[%add3A_96, %dma_start3A_97] : memref<25x80xi32, #tpu.memory_space<vmem>> -> memref<1x80xi32, #tpu.memory_space<vmem>>
            %dma_start3A_99 = tpu.memref_squeeze %dma_start3A_98 : memref<1x80xi32, #tpu.memory_space<vmem>> -> memref<80xi32, #tpu.memory_space<vmem>>
            %dma_start3A_100 = arith.constant 0 : i32
            %dma_start3A_101 = arith.constant 0 : i32
            %dma_start3A_102 = tpu.memref_slice %arg2[%dma_start3A_100, %dma_start3A_101] : memref<10000x128xf32, #tpu.memory_space<hbm>> -> memref<10000x128xf32, #tpu.memory_space<hbm>>
            tpu.enqueue_indirect_dma source(%dma_start3A_102 : memref<10000x128xf32, #tpu.memory_space<hbm>>) target(%arg9 : memref<80x128xf32, #tpu.memory_space<vmem>>) offsets(%dma_start3A_99 : memref<80xi32, #tpu.memory_space<vmem>>) semaphore(%arg13 : memref<!tpu.dma_semaphore, #tpu.memory_space<semaphore_mem>>)
          } else {
          }
        } else {
        }
        %mul3A_59 = arith.constant 3 : i32
        %mul3A_60 = arith.muli %mul3A_59, %scan3A_50 : i32
        %add3A_61 = arith.constant 1 : i32
        %add3A_62 = arith.addi %mul3A_60, %add3A_61 : i32
        %le3A_63 = arith.constant 24 : i32
        %le3A_64 = arith.cmpi sle, %add3A_62, %le3A_63 : i32
        %convert_element_type3A_65 = arith.extui %le3A_64 : i1 to i32
        %cond3A_66 = arith.constant 0 : i32
        %cond3A_67 = arith.cmpi ne, %convert_element_type3A_65, %cond3A_66 : i32
        scf.if %cond3A_67 {
          %scan3A_77 = arith.constant 0 : i32
          %scan3A_78 = arith.constant 0 : i32
          %scan3A_79 = arith.constant 5 : i32
          %scan3A_80 = arith.addi %scan3A_78, %scan3A_79 : i32
          %scan3A_81 = arith.constant 1 : i32
          scf.for %scan3A_95 = %scan3A_78 to %scan3A_80 step %scan3A_81  : i32 {
            %mul3A_96 = arith.constant 16 : i32
            %mul3A_97 = arith.muli %scan3A_95, %mul3A_96 : i32
            %get3A = arith.index_cast %add3A_62 : i32 to index
            %get3A_98 = arith.index_cast %mul3A_97 : i32 to index
            %get3A_99 = tpu.vector_load %arg7[%get3A, %get3A_98] {strides = array<i32>} : memref<25x80xi32, #tpu.memory_space<vmem>>, vector<1x16xi32>,
            %get3A_100 = vector.shape_cast %get3A_99 : vector<1x16xi32> to vector<16xi32>
            %mul3A_101 = arith.constant 16 : i32
            %mul3A_102 = arith.muli %scan3A_95, %mul3A_101 : i32
            %get3A_103 = arith.index_cast %add3A_62 : i32 to index
            %get3A_104 = arith.index_cast %mul3A_102 : i32 to index
            %get3A_105 = tpu.vector_load %arg8[%get3A_103, %get3A_104] {strides = array<i32>} : memref<25x80xi32, #tpu.memory_space<vmem>>, vector<1x16xi32>,
            %get3A_106 = vector.shape_cast %get3A_105 : vector<1x16xi32> to vector<16xi32>
            %eq3A_107 = arith.cmpi eq, %get3A_100, %get3A_106 : vector<16xi32>
            %jit3A = arith.constant 10000 : i32
            %broadcast_in_dim3A = vector.broadcast %jit3A : i32 to vector<16xi32>
            %select_n3A = arith.select %eq3A_107, %broadcast_in_dim3A, %get3A_106 : vector<16xi1>, vector<16xi32>
            %mul3A_108 = arith.constant 16 : i32
            %mul3A_109 = arith.muli %scan3A_95, %mul3A_108 : i32
            %swap3A = arith.index_cast %add3A_62 : i32 to index
            %swap3A_110 = arith.index_cast %mul3A_109 : i32 to index
            %swap3A_111 = tpu.vector_load %arg8[%swap3A, %swap3A_110] {strides = array<i32>} : memref<25x80xi32, #tpu.memory_space<vmem>>, vector<1x16xi32>,
            %swap3A_112 = vector.shape_cast %swap3A_111 : vector<1x16xi32> to vector<16xi32>
            %swap3A_113 = vector.shape_cast %select_n3A : vector<16xi32> to vector<1x16xi32>
            tpu.vector_store %arg8[%swap3A, %swap3A_110], %swap3A_113 {strides = array<i32>} : memref<25x80xi32, #tpu.memory_space<vmem>>, vector<1x16xi32>,
          }
          %scan3A_82 = arith.constant 5 : i32
          %dma_wait3A = arith.constant 0 : i32
          %dma_wait3A_83 = tpu.memref_slice %arg7[%add3A_62, %dma_wait3A] : memref<25x80xi32, #tpu.memory_space<vmem>> -> memref<1x80xi32, #tpu.memory_space<vmem>>
          %dma_wait3A_84 = tpu.memref_squeeze %dma_wait3A_83 : memref<1x80xi32, #tpu.memory_space<vmem>> -> memref<80xi32, #tpu.memory_space<vmem>>
          %dma_wait3A_85 = arith.constant 0 : i32
          %dma_wait3A_86 = arith.constant 0 : i32
          %dma_wait3A_87 = tpu.memref_slice %arg2[%dma_wait3A_85, %dma_wait3A_86] : memref<10000x128xf32, #tpu.memory_space<hbm>> -> memref<10000x128xf32, #tpu.memory_space<hbm>>
          tpu.wait_indirect_dma semaphore(%arg14 : memref<!tpu.dma_semaphore, #tpu.memory_space<semaphore_mem>>) src(%dma_wait3A_87 : memref<10000x128xf32, #tpu.memory_space<hbm>>) dst(%arg10 : memref<80x128xf32, #tpu.memory_space<vmem>>)
          "tpu.region"() ({
            %run_scoped3A = tpu.sem_alloc : memref<!tpu.dma_semaphore, #tpu.memory_space<semaphore_mem>>
            %dma_start3A_95 = arith.constant 0 : i32
            %dma_start3A_96 = tpu.memref_slice %arg8[%add3A_62, %dma_start3A_95] : memref<25x80xi32, #tpu.memory_space<vmem>> -> memref<1x80xi32, #tpu.memory_space<vmem>>
            %dma_start3A_97 = tpu.memref_squeeze %dma_start3A_96 : memref<1x80xi32, #tpu.memory_space<vmem>> -> memref<80xi32, #tpu.memory_space<vmem>>
            %dma_start3A_98 = arith.constant 0 : i32
            %dma_start3A_99 = arith.constant 0 : i32
            %dma_start3A_100 = tpu.memref_slice %arg12[%dma_start3A_98, %dma_start3A_99] : memref<10008x128xf32, #tpu.memory_space<vmem_shared>> -> memref<10008x128xf32, #tpu.memory_space<vmem_shared>>
            tpu.enqueue_indirect_dma source(%arg10 : memref<80x128xf32, #tpu.memory_space<vmem>>) target(%dma_start3A_100 : memref<10008x128xf32, #tpu.memory_space<vmem_shared>>) offsets(%dma_start3A_97 : memref<80xi32, #tpu.memory_space<vmem>>) semaphore(%run_scoped3A : memref<!tpu.dma_semaphore, #tpu.memory_space<semaphore_mem>>) {add = true}
            %dma_wait3A_101 = arith.constant 0 : i32
            %dma_wait3A_102 = tpu.memref_slice %arg8[%add3A_62, %dma_wait3A_101] : memref<25x80xi32, #tpu.memory_space<vmem>> -> memref<1x80xi32, #tpu.memory_space<vmem>>
            %dma_wait3A_103 = tpu.memref_squeeze %dma_wait3A_102 : memref<1x80xi32, #tpu.memory_space<vmem>> -> memref<80xi32, #tpu.memory_space<vmem>>
            %dma_wait3A_104 = arith.constant 0 : i32
            %dma_wait3A_105 = arith.constant 0 : i32
            %dma_wait3A_106 = tpu.memref_slice %arg12[%dma_wait3A_104, %dma_wait3A_105] : memref<10008x128xf32, #tpu.memory_space<vmem_shared>> -> memref<10008x128xf32, #tpu.memory_space<vmem_shared>>
            tpu.wait_indirect_dma semaphore(%run_scoped3A : memref<!tpu.dma_semaphore, #tpu.memory_space<semaphore_mem>>) src(%arg10 : memref<80x128xf32, #tpu.memory_space<vmem>>) dst(%dma_wait3A_106 : memref<10008x128xf32, #tpu.memory_space<vmem_shared>>)
            tpu.yield
          }) : () -> ()
          %add3A_88 = arith.constant 3 : i32
          %add3A_89 = arith.addi %add3A_62, %add3A_88 : i32
          %le3A_90 = arith.constant 24 : i32
          %le3A_91 = arith.cmpi sle, %add3A_89, %le3A_90 : i32
          %convert_element_type3A_92 = arith.extui %le3A_91 : i1 to i32
          %cond3A_93 = arith.constant 0 : i32
          %cond3A_94 = arith.cmpi ne, %convert_element_type3A_92, %cond3A_93 : i32
          scf.if %cond3A_94 {
            %add3A_95 = arith.constant 3 : i32
            %add3A_96 = arith.addi %add3A_62, %add3A_95 : i32
            %dma_start3A_97 = arith.constant 0 : i32
            %dma_start3A_98 = tpu.memref_slice %arg7[%add3A_96, %dma_start3A_97] : memref<25x80xi32, #tpu.memory_space<vmem>> -> memref<1x80xi32, #tpu.memory_space<vmem>>
            %dma_start3A_99 = tpu.memref_squeeze %dma_start3A_98 : memref<1x80xi32, #tpu.memory_space<vmem>> -> memref<80xi32, #tpu.memory_space<vmem>>
            %dma_start3A_100 = arith.constant 0 : i32
            %dma_start3A_101 = arith.constant 0 : i32
            %dma_start3A_102 = tpu.memref_slice %arg2[%dma_start3A_100, %dma_start3A_101] : memref<10000x128xf32, #tpu.memory_space<hbm>> -> memref<10000x128xf32, #tpu.memory_space<hbm>>
            tpu.enqueue_indirect_dma source(%dma_start3A_102 : memref<10000x128xf32, #tpu.memory_space<hbm>>) target(%arg10 : memref<80x128xf32, #tpu.memory_space<vmem>>) offsets(%dma_start3A_99 : memref<80xi32, #tpu.memory_space<vmem>>) semaphore(%arg14 : memref<!tpu.dma_semaphore, #tpu.memory_space<semaphore_mem>>)
          } else {
          }
        } else {
        }
        %mul3A_68 = arith.constant 3 : i32
        %mul3A_69 = arith.muli %mul3A_68, %scan3A_50 : i32
        %add3A_70 = arith.constant 2 : i32
        %add3A_71 = arith.addi %mul3A_69, %add3A_70 : i32
        %le3A_72 = arith.constant 24 : i32
        %le3A_73 = arith.cmpi sle, %add3A_71, %le3A_72 : i32
        %convert_element_type3A_74 = arith.extui %le3A_73 : i1 to i32
        %cond3A_75 = arith.constant 0 : i32
        %cond3A_76 = arith.cmpi ne, %convert_element_type3A_74, %cond3A_75 : i32
        scf.if %cond3A_76 {
          %scan3A_77 = arith.constant 0 : i32
          %scan3A_78 = arith.constant 0 : i32
          %scan3A_79 = arith.constant 5 : i32
          %scan3A_80 = arith.addi %scan3A_78, %scan3A_79 : i32
          %scan3A_81 = arith.constant 1 : i32
          scf.for %scan3A_95 = %scan3A_78 to %scan3A_80 step %scan3A_81  : i32 {
            %mul3A_96 = arith.constant 16 : i32
            %mul3A_97 = arith.muli %scan3A_95, %mul3A_96 : i32
            %get3A = arith.index_cast %add3A_71 : i32 to index
            %get3A_98 = arith.index_cast %mul3A_97 : i32 to index
            %get3A_99 = tpu.vector_load %arg7[%get3A, %get3A_98] {strides = array<i32>} : memref<25x80xi32, #tpu.memory_space<vmem>>, vector<1x16xi32>,
            %get3A_100 = vector.shape_cast %get3A_99 : vector<1x16xi32> to vector<16xi32>
            %mul3A_101 = arith.constant 16 : i32
            %mul3A_102 = arith.muli %scan3A_95, %mul3A_101 : i32
            %get3A_103 = arith.index_cast %add3A_71 : i32 to index
            %get3A_104 = arith.index_cast %mul3A_102 : i32 to index
            %get3A_105 = tpu.vector_load %arg8[%get3A_103, %get3A_104] {strides = array<i32>} : memref<25x80xi32, #tpu.memory_space<vmem>>, vector<1x16xi32>,
            %get3A_106 = vector.shape_cast %get3A_105 : vector<1x16xi32> to vector<16xi32>
            %eq3A_107 = arith.cmpi eq, %get3A_100, %get3A_106 : vector<16xi32>
            %jit3A = arith.constant 10000 : i32
            %broadcast_in_dim3A = vector.broadcast %jit3A : i32 to vector<16xi32>
            %select_n3A = arith.select %eq3A_107, %broadcast_in_dim3A, %get3A_106 : vector<16xi1>, vector<16xi32>
            %mul3A_108 = arith.constant 16 : i32
            %mul3A_109 = arith.muli %scan3A_95, %mul3A_108 : i32
            %swap3A = arith.index_cast %add3A_71 : i32 to index
            %swap3A_110 = arith.index_cast %mul3A_109 : i32 to index
            %swap3A_111 = tpu.vector_load %arg8[%swap3A, %swap3A_110] {strides = array<i32>} : memref<25x80xi32, #tpu.memory_space<vmem>>, vector<1x16xi32>,
            %swap3A_112 = vector.shape_cast %swap3A_111 : vector<1x16xi32> to vector<16xi32>
            %swap3A_113 = vector.shape_cast %select_n3A : vector<16xi32> to vector<1x16xi32>
            tpu.vector_store %arg8[%swap3A, %swap3A_110], %swap3A_113 {strides = array<i32>} : memref<25x80xi32, #tpu.memory_space<vmem>>, vector<1x16xi32>,
          }
          %scan3A_82 = arith.constant 5 : i32
          %dma_wait3A = arith.constant 0 : i32
          %dma_wait3A_83 = tpu.memref_slice %arg7[%add3A_71, %dma_wait3A] : memref<25x80xi32, #tpu.memory_space<vmem>> -> memref<1x80xi32, #tpu.memory_space<vmem>>
          %dma_wait3A_84 = tpu.memref_squeeze %dma_wait3A_83 : memref<1x80xi32, #tpu.memory_space<vmem>> -> memref<80xi32, #tpu.memory_space<vmem>>
          %dma_wait3A_85 = arith.constant 0 : i32
          %dma_wait3A_86 = arith.constant 0 : i32
          %dma_wait3A_87 = tpu.memref_slice %arg2[%dma_wait3A_85, %dma_wait3A_86] : memref<10000x128xf32, #tpu.memory_space<hbm>> -> memref<10000x128xf32, #tpu.memory_space<hbm>>
          tpu.wait_indirect_dma semaphore(%arg15 : memref<!tpu.dma_semaphore, #tpu.memory_space<semaphore_mem>>) src(%dma_wait3A_87 : memref<10000x128xf32, #tpu.memory_space<hbm>>) dst(%arg11 : memref<80x128xf32, #tpu.memory_space<vmem>>)
          "tpu.region"() ({
            %run_scoped3A = tpu.sem_alloc : memref<!tpu.dma_semaphore, #tpu.memory_space<semaphore_mem>>
            %dma_start3A_95 = arith.constant 0 : i32
            %dma_start3A_96 = tpu.memref_slice %arg8[%add3A_71, %dma_start3A_95] : memref<25x80xi32, #tpu.memory_space<vmem>> -> memref<1x80xi32, #tpu.memory_space<vmem>>
            %dma_start3A_97 = tpu.memref_squeeze %dma_start3A_96 : memref<1x80xi32, #tpu.memory_space<vmem>> -> memref<80xi32, #tpu.memory_space<vmem>>
            %dma_start3A_98 = arith.constant 0 : i32
            %dma_start3A_99 = arith.constant 0 : i32
            %dma_start3A_100 = tpu.memref_slice %arg12[%dma_start3A_98, %dma_start3A_99] : memref<10008x128xf32, #tpu.memory_space<vmem_shared>> -> memref<10008x128xf32, #tpu.memory_space<vmem_shared>>
            tpu.enqueue_indirect_dma source(%arg11 : memref<80x128xf32, #tpu.memory_space<vmem>>) target(%dma_start3A_100 : memref<10008x128xf32, #tpu.memory_space<vmem_shared>>) offsets(%dma_start3A_97 : memref<80xi32, #tpu.memory_space<vmem>>) semaphore(%run_scoped3A : memref<!tpu.dma_semaphore, #tpu.memory_space<semaphore_mem>>) {add = true}
            %dma_wait3A_101 = arith.constant 0 : i32
            %dma_wait3A_102 = tpu.memref_slice %arg8[%add3A_71, %dma_wait3A_101] : memref<25x80xi32, #tpu.memory_space<vmem>> -> memref<1x80xi32, #tpu.memory_space<vmem>>
            %dma_wait3A_103 = tpu.memref_squeeze %dma_wait3A_102 : memref<1x80xi32, #tpu.memory_space<vmem>> -> memref<80xi32, #tpu.memory_space<vmem>>
            %dma_wait3A_104 = arith.constant 0 : i32
            %dma_wait3A_105 = arith.constant 0 : i32
            %dma_wait3A_106 = tpu.memref_slice %arg12[%dma_wait3A_104, %dma_wait3A_105] : memref<10008x128xf32, #tpu.memory_space<vmem_shared>> -> memref<10008x128xf32, #tpu.memory_space<vmem_shared>>
            tpu.wait_indirect_dma semaphore(%run_scoped3A : memref<!tpu.dma_semaphore, #tpu.memory_space<semaphore_mem>>) src(%arg11 : memref<80x128xf32, #tpu.memory_space<vmem>>) dst(%dma_wait3A_106 : memref<10008x128xf32, #tpu.memory_space<vmem_shared>>)
            tpu.yield
          }) : () -> ()
          %add3A_88 = arith.constant 3 : i32
          %add3A_89 = arith.addi %add3A_71, %add3A_88 : i32
          %le3A_90 = arith.constant 24 : i32
          %le3A_91 = arith.cmpi sle, %add3A_89, %le3A_90 : i32
          %convert_element_type3A_92 = arith.extui %le3A_91 : i1 to i32
          %cond3A_93 = arith.constant 0 : i32
          %cond3A_94 = arith.cmpi ne, %convert_element_type3A_92, %cond3A_93 : i32
          scf.if %cond3A_94 {
            %add3A_95 = arith.constant 3 : i32
            %add3A_96 = arith.addi %add3A_71, %add3A_95 : i32
            %dma_start3A_97 = arith.constant 0 : i32
            %dma_start3A_98 = tpu.memref_slice %arg7[%add3A_96, %dma_start3A_97] : memref<25x80xi32, #tpu.memory_space<vmem>> -> memref<1x80xi32, #tpu.memory_space<vmem>>
            %dma_start3A_99 = tpu.memref_squeeze %dma_start3A_98 : memref<1x80xi32, #tpu.memory_space<vmem>> -> memref<80xi32, #tpu.memory_space<vmem>>
            %dma_start3A_100 = arith.constant 0 : i32
            %dma_start3A_101 = arith.constant 0 : i32
            %dma_start3A_102 = tpu.memref_slice %arg2[%dma_start3A_100, %dma_start3A_101] : memref<10000x128xf32, #tpu.memory_space<hbm>> -> memref<10000x128xf32, #tpu.memory_space<hbm>>
            tpu.enqueue_indirect_dma source(%dma_start3A_102 : memref<10000x128xf32, #tpu.memory_space<hbm>>) target(%arg11 : memref<80x128xf32, #tpu.memory_space<vmem>>) offsets(%dma_start3A_99 : memref<80xi32, #tpu.memory_space<vmem>>) semaphore(%arg15 : memref<!tpu.dma_semaphore, #tpu.memory_space<semaphore_mem>>)
          } else {
          }
        } else {
        }
      }
      %scan3A_49 = arith.constant 9 : i32
    }
    %scan3A_11 = arith.constant 5 : i32
    %barrier3A_12 = arith.constant 0 : index
    tpu.barrier barrier_id(%barrier3A_12)
    %lt3A_13 = arith.constant 15 : i32
    %lt3A_14 = arith.cmpi slt, %arg1, %lt3A_13 : i32
    %convert_element_type3A_15 = arith.extui %lt3A_14 : i1 to i32
    %cond3A_16 = arith.constant 0 : i32
    %cond3A_17 = arith.cmpi ne, %convert_element_type3A_15, %cond3A_16 : i32
    scf.if %cond3A_17 {
      %mul3A_23 = arith.constant 640 : i32
      %mul3A_24 = arith.muli %arg1, %mul3A_23 : i32
      %mul3A_25 = arith.constant 10000 : i32
      %mul3A_26 = arith.muli %arg0, %mul3A_25 : i32
      %mul3A_27 = arith.constant 640 : i32
      %mul3A_28 = arith.muli %arg1, %mul3A_27 : i32
      %add3A_29 = arith.addi %mul3A_26, %mul3A_28 : i32
      "tpu.region"() ({
        %run_scoped3A = tpu.sem_alloc : memref<!tpu.dma_semaphore, #tpu.memory_space<semaphore_mem>>
        %dma_start3A = arith.constant 0 : i32
        %dma_start3A_30 = tpu.memref_slice %arg6[%add3A_29, %dma_start3A] : memref<20000x128xf32, #tpu.memory_space<hbm>> -> memref<640x128xf32, #tpu.memory_space<hbm>>
        %dma_start3A_31 = arith.constant 0 : i32
        %dma_start3A_32 = tpu.memref_slice %arg12[%mul3A_24, %dma_start3A_31] : memref<10008x128xf32, #tpu.memory_space<vmem_shared>> -> memref<640x128xf32, #tpu.memory_space<vmem_shared>>
        tpu.enqueue_dma source(%dma_start3A_32 : memref<640x128xf32, #tpu.memory_space<vmem_shared>>) target(%dma_start3A_30 : memref<640x128xf32, #tpu.memory_space<hbm>>) target_semaphore(%run_scoped3A : memref<!tpu.dma_semaphore, #tpu.memory_space<semaphore_mem>>)
        %dma_wait3A = arith.constant 0 : i32
        %dma_wait3A_33 = tpu.memref_slice %arg6[%add3A_29, %dma_wait3A] : memref<20000x128xf32, #tpu.memory_space<hbm>> -> memref<640x128xf32, #tpu.memory_space<hbm>>
        %dma_wait3A_34 = arith.constant 0 : i32
        %dma_wait3A_35 = tpu.memref_slice %arg12[%mul3A_24, %dma_wait3A_34] : memref<10008x128xf32, #tpu.memory_space<vmem_shared>> -> memref<640x128xf32, #tpu.memory_space<vmem_shared>>
        tpu.wait_dma2 semaphore(%run_scoped3A : memref<!tpu.dma_semaphore, #tpu.memory_space<semaphore_mem>>) src(%dma_wait3A_35 : memref<640x128xf32, #tpu.memory_space<vmem_shared>>) dst(%dma_wait3A_33 : memref<640x128xf32, #tpu.memory_space<hbm>>)
        tpu.yield
      }) : () -> ()
    } else {
    }
    %eq3A_18 = arith.constant 15 : i32
    %eq3A_19 = arith.cmpi eq, %arg1, %eq3A_18 : i32
    %convert_element_type3A_20 = arith.extui %eq3A_19 : i1 to i32
    %cond3A_21 = arith.constant 0 : i32
    %cond3A_22 = arith.cmpi ne, %convert_element_type3A_20, %cond3A_21 : i32
    scf.if %cond3A_22 {
      %mul3A_23 = arith.constant 10000 : i32
      %mul3A_24 = arith.muli %arg0, %mul3A_23 : i32
      %add3A_25 = arith.constant 9600 : i32
      %add3A_26 = arith.addi %mul3A_24, %add3A_25 : i32
      "tpu.region"() ({
        %run_scoped3A = tpu.sem_alloc : memref<!tpu.dma_semaphore, #tpu.memory_space<semaphore_mem>>
        %dma_start3A = arith.constant 0 : i32
        %dma_start3A_27 = tpu.memref_slice %arg6[%add3A_26, %dma_start3A] : memref<20000x128xf32, #tpu.memory_space<hbm>> -> memref<400x128xf32, #tpu.memory_space<hbm>>
        %dma_start3A_28 = arith.constant 9600 : i32
        %dma_start3A_29 = arith.constant 0 : i32
        %dma_start3A_30 = tpu.memref_slice %arg12[%dma_start3A_28, %dma_start3A_29] : memref<10008x128xf32, #tpu.memory_space<vmem_shared>> -> memref<400x128xf32, #tpu.memory_space<vmem_shared>>
        tpu.enqueue_dma source(%dma_start3A_30 : memref<400x128xf32, #tpu.memory_space<vmem_shared>>) target(%dma_start3A_27 : memref<400x128xf32, #tpu.memory_space<hbm>>) target_semaphore(%run_scoped3A : memref<!tpu.dma_semaphore, #tpu.memory_space<semaphore_mem>>)
        %dma_wait3A = arith.constant 0 : i32
        %dma_wait3A_31 = tpu.memref_slice %arg6[%add3A_26, %dma_wait3A] : memref<20000x128xf32, #tpu.memory_space<hbm>> -> memref<400x128xf32, #tpu.memory_space<hbm>>
        %dma_wait3A_32 = arith.constant 9600 : i32
        %dma_wait3A_33 = arith.constant 0 : i32
        %dma_wait3A_34 = tpu.memref_slice %arg12[%dma_wait3A_32, %dma_wait3A_33] : memref<10008x128xf32, #tpu.memory_space<vmem_shared>> -> memref<400x128xf32, #tpu.memory_space<vmem_shared>>
        tpu.wait_dma2 semaphore(%run_scoped3A : memref<!tpu.dma_semaphore, #tpu.memory_space<semaphore_mem>>) src(%dma_wait3A_34 : memref<400x128xf32, #tpu.memory_space<vmem_shared>>) dst(%dma_wait3A_31 : memref<400x128xf32, #tpu.memory_space<hbm>>)
        tpu.yield
      }) : () -> ()
    } else {
    }
    return
  }
}

#map = affine_map<(d0, d1) -> (0, 0)>
#map1 = affine_map<(d0, d1) -> (0, 0, 0, 0)>
module attributes {stable_mosaic.version = 14 : i64} {
  func.func @_seg_body(%arg0: i32, %arg1: i32, %arg2: memref<10000x128xf32, #tpu.memory_space<hbm>>, %arg3: memref<32x5x25x80xi32, #tpu.memory_space<hbm>>, %arg4: memref<32x5x25x80xi32, #tpu.memory_space<hbm>>, %arg5: memref<640x128xf32, #tpu.memory_space<hbm>>, %arg6: memref<20000x128xf32, #tpu.memory_space<hbm>>, %arg7: memref<25x80xi32, #tpu.memory_space<vmem>>, %arg8: memref<25x80xi32, #tpu.memory_space<vmem>>, %arg9: memref<80x128xf32, #tpu.memory_space<vmem>>, %arg10: memref<80x128xf32, #tpu.memory_space<vmem>>, %arg11: memref<80x128xf32, #tpu.memory_space<vmem>>, %arg12: memref<10008x128xf32, #tpu.memory_space<vmem_shared>>, %arg13: memref<!tpu.dma_semaphore, #tpu.memory_space<semaphore_mem>>, %arg14: memref<!tpu.dma_semaphore, #tpu.memory_space<semaphore_mem>>, %arg15: memref<!tpu.dma_semaphore, #tpu.memory_space<semaphore_mem>>) attributes {dimension_semantics = [#tpu.dimension_semantics<core_parallel>, #tpu.dimension_semantics<subcore_parallel>], iteration_bounds = array<i64: 2, 16>, scalar_prefetch = 0 : i64, scratch_operands = 9 : i64, tpu.core_type = #tpu.core_type<sc_vector_subcore>, window_params = [{transform_indices = #map}, {transform_indices = #map1}, {transform_indices = #map1}, {transform_indices = #map}, {transform_indices = #map}]} {
    %mul3A = arith.constant 2 : i32
    %mul3A_0 = arith.muli %arg1, %mul3A : i32
    %add3A = arith.addi %mul3A_0, %arg0 : i32
    %lt3A = arith.constant 15 : i32
    %lt3A_1 = arith.cmpi slt, %arg1, %lt3A : i32
    %convert_element_type3A = arith.extui %lt3A_1 : i1 to i32
    %cond3A = arith.constant 0 : i32
    %cond3A_2 = arith.cmpi ne, %convert_element_type3A, %cond3A : i32
    scf.if %cond3A_2 {
      %mul3A_23 = arith.constant 640 : i32
      %mul3A_24 = arith.muli %arg1, %mul3A_23 : i32
      "tpu.region"() ({
        %run_scoped3A = tpu.sem_alloc : memref<!tpu.dma_semaphore, #tpu.memory_space<semaphore_mem>>
        %dma_start3A = arith.constant 0 : i32
        %dma_start3A_25 = tpu.memref_slice %arg12[%mul3A_24, %dma_start3A] : memref<10008x128xf32, #tpu.memory_space<vmem_shared>> -> memref<640x128xf32, #tpu.memory_space<vmem_shared>>
        tpu.enqueue_dma source(%arg5 : memref<640x128xf32, #tpu.memory_space<hbm>>) target(%dma_start3A_25 : memref<640x128xf32, #tpu.memory_space<vmem_shared>>) target_semaphore(%run_scoped3A : memref<!tpu.dma_semaphore, #tpu.memory_space<semaphore_mem>>)
        %dma_wait3A = arith.constant 0 : i32
        %dma_wait3A_26 = tpu.memref_slice %arg12[%mul3A_24, %dma_wait3A] : memref<10008x128xf32, #tpu.memory_space<vmem_shared>> -> memref<640x128xf32, #tpu.memory_space<vmem_shared>>
        tpu.wait_dma2 semaphore(%run_scoped3A : memref<!tpu.dma_semaphore, #tpu.memory_space<semaphore_mem>>) src(%arg5 : memref<640x128xf32, #tpu.memory_space<hbm>>) dst(%dma_wait3A_26 : memref<640x128xf32, #tpu.memory_space<vmem_shared>>)
        tpu.yield
      }) : () -> ()
    } else {
    }
    %eq3A = arith.constant 15 : i32
    %eq3A_3 = arith.cmpi eq, %arg1, %eq3A : i32
    %convert_element_type3A_4 = arith.extui %eq3A_3 : i1 to i32
    %cond3A_5 = arith.constant 0 : i32
    %cond3A_6 = arith.cmpi ne, %convert_element_type3A_4, %cond3A_5 : i32
    scf.if %cond3A_6 {
      "tpu.region"() ({
        %run_scoped3A = tpu.sem_alloc : memref<!tpu.dma_semaphore, #tpu.memory_space<semaphore_mem>>
        %dma_start3A = arith.constant 9600 : i32
        %dma_start3A_23 = arith.constant 0 : i32
        %dma_start3A_24 = tpu.memref_slice %arg12[%dma_start3A, %dma_start3A_23] : memref<10008x128xf32, #tpu.memory_space<vmem_shared>> -> memref<408x128xf32, #tpu.memory_space<vmem_shared>>
        %dma_start3A_25 = arith.constant 0 : i32
        %dma_start3A_26 = arith.constant 0 : i32
        %dma_start3A_27 = tpu.memref_slice %arg5[%dma_start3A_25, %dma_start3A_26] : memref<640x128xf32, #tpu.memory_space<hbm>> -> memref<408x128xf32, #tpu.memory_space<hbm>>
        tpu.enqueue_dma source(%dma_start3A_27 : memref<408x128xf32, #tpu.memory_space<hbm>>) target(%dma_start3A_24 : memref<408x128xf32, #tpu.memory_space<vmem_shared>>) target_semaphore(%run_scoped3A : memref<!tpu.dma_semaphore, #tpu.memory_space<semaphore_mem>>)
        %dma_wait3A = arith.constant 9600 : i32
        %dma_wait3A_28 = arith.constant 0 : i32
        %dma_wait3A_29 = tpu.memref_slice %arg12[%dma_wait3A, %dma_wait3A_28] : memref<10008x128xf32, #tpu.memory_space<vmem_shared>> -> memref<408x128xf32, #tpu.memory_space<vmem_shared>>
        %dma_wait3A_30 = arith.constant 0 : i32
        %dma_wait3A_31 = arith.constant 0 : i32
        %dma_wait3A_32 = tpu.memref_slice %arg5[%dma_wait3A_30, %dma_wait3A_31] : memref<640x128xf32, #tpu.memory_space<hbm>> -> memref<408x128xf32, #tpu.memory_space<hbm>>
        tpu.wait_dma2 semaphore(%run_scoped3A : memref<!tpu.dma_semaphore, #tpu.memory_space<semaphore_mem>>) src(%dma_wait3A_32 : memref<408x128xf32, #tpu.memory_space<hbm>>) dst(%dma_wait3A_29 : memref<408x128xf32, #tpu.memory_space<vmem_shared>>)
        tpu.yield
      }) : () -> ()
    } else {
    }
    %barrier3A = arith.constant 0 : index
    tpu.barrier barrier_id(%barrier3A)
    %scan3A = arith.constant 0 : i32
    %scan3A_7 = arith.constant 0 : i32
    %scan3A_8 = arith.constant 5 : i32
    %scan3A_9 = arith.addi %scan3A_7, %scan3A_8 : i32
    %scan3A_10 = arith.constant 1 : i32
    scf.for %scan3A_23 = %scan3A_7 to %scan3A_9 step %scan3A_10  : i32 {
      "tpu.region"() ({
        %run_scoped3A = tpu.sem_alloc : memref<!tpu.dma_semaphore, #tpu.memory_space<semaphore_mem>>
        %dma_start3A_50 = arith.constant 0 : i32
        %dma_start3A_51 = arith.constant 0 : i32
        %dma_start3A_52 = tpu.memref_slice %arg3[%add3A, %scan3A_23, %dma_start3A_50, %dma_start3A_51] : memref<32x5x25x80xi32, #tpu.memory_space<hbm>> -> memref<1x1x25x80xi32, #tpu.memory_space<hbm>>
        %dma_start3A_53 = tpu.memref_squeeze %dma_start3A_52 : memref<1x1x25x80xi32, #tpu.memory_space<hbm>> -> memref<25x80xi32, #tpu.memory_space<hbm>>
        %dma_start3A_54 = arith.constant 0 : i32
        %dma_start3A_55 = arith.constant 0 : i32
        %dma_start3A_56 = tpu.memref_slice %arg3[%add3A, %scan3A_23, %dma_start3A_54, %dma_start3A_55] : memref<32x5x25x80xi32, #tpu.memory_space<hbm>> -> memref<1x1x25x80xi32, #tpu.memory_space<hbm>>
        %dma_start3A_57 = tpu.memref_squeeze %dma_start3A_56 : memref<1x1x25x80xi32, #tpu.memory_space<hbm>> -> memref<25x80xi32, #tpu.memory_space<hbm>>
        tpu.enqueue_dma source(%dma_start3A_57 : memref<25x80xi32, #tpu.memory_space<hbm>>) target(%arg7 : memref<25x80xi32, #tpu.memory_space<vmem>>) target_semaphore(%run_scoped3A : memref<!tpu.dma_semaphore, #tpu.memory_space<semaphore_mem>>)
        %dma_wait3A = arith.constant 0 : i32
        %dma_wait3A_58 = arith.constant 0 : i32
        %dma_wait3A_59 = tpu.memref_slice %arg3[%add3A, %scan3A_23, %dma_wait3A, %dma_wait3A_58] : memref<32x5x25x80xi32, #tpu.memory_space<hbm>> -> memref<1x1x25x80xi32, #tpu.memory_space<hbm>>
        %dma_wait3A_60 = tpu.memref_squeeze %dma_wait3A_59 : memref<1x1x25x80xi32, #tpu.memory_space<hbm>> -> memref<25x80xi32, #tpu.memory_space<hbm>>
        %dma_wait3A_61 = arith.constant 0 : i32
        %dma_wait3A_62 = arith.constant 0 : i32
        %dma_wait3A_63 = tpu.memref_slice %arg3[%add3A, %scan3A_23, %dma_wait3A_61, %dma_wait3A_62] : memref<32x5x25x80xi32, #tpu.memory_space<hbm>> -> memref<1x1x25x80xi32, #tpu.memory_space<hbm>>
        %dma_wait3A_64 = tpu.memref_squeeze %dma_wait3A_63 : memref<1x1x25x80xi32, #tpu.memory_space<hbm>> -> memref<25x80xi32, #tpu.memory_space<hbm>>
        tpu.wait_dma2 semaphore(%run_scoped3A : memref<!tpu.dma_semaphore, #tpu.memory_space<semaphore_mem>>) src(%dma_wait3A_64 : memref<25x80xi32, #tpu.memory_space<hbm>>) dst(%arg7 : memref<25x80xi32, #tpu.memory_space<vmem>>)
        tpu.yield
      }) : () -> ()
      "tpu.region"() ({
        %run_scoped3A = tpu.sem_alloc : memref<!tpu.dma_semaphore, #tpu.memory_space<semaphore_mem>>
        %dma_start3A_50 = arith.constant 0 : i32
        %dma_start3A_51 = arith.constant 0 : i32
        %dma_start3A_52 = tpu.memref_slice %arg4[%add3A, %scan3A_23, %dma_start3A_50, %dma_start3A_51] : memref<32x5x25x80xi32, #tpu.memory_space<hbm>> -> memref<1x1x25x80xi32, #tpu.memory_space<hbm>>
        %dma_start3A_53 = tpu.memref_squeeze %dma_start3A_52 : memref<1x1x25x80xi32, #tpu.memory_space<hbm>> -> memref<25x80xi32, #tpu.memory_space<hbm>>
        %dma_start3A_54 = arith.constant 0 : i32
        %dma_start3A_55 = arith.constant 0 : i32
        %dma_start3A_56 = tpu.memref_slice %arg4[%add3A, %scan3A_23, %dma_start3A_54, %dma_start3A_55] : memref<32x5x25x80xi32, #tpu.memory_space<hbm>> -> memref<1x1x25x80xi32, #tpu.memory_space<hbm>>
        %dma_start3A_57 = tpu.memref_squeeze %dma_start3A_56 : memref<1x1x25x80xi32, #tpu.memory_space<hbm>> -> memref<25x80xi32, #tpu.memory_space<hbm>>
        tpu.enqueue_dma source(%dma_start3A_57 : memref<25x80xi32, #tpu.memory_space<hbm>>) target(%arg8 : memref<25x80xi32, #tpu.memory_space<vmem>>) target_semaphore(%run_scoped3A : memref<!tpu.dma_semaphore, #tpu.memory_space<semaphore_mem>>)
        %dma_wait3A = arith.constant 0 : i32
        %dma_wait3A_58 = arith.constant 0 : i32
        %dma_wait3A_59 = tpu.memref_slice %arg4[%add3A, %scan3A_23, %dma_wait3A, %dma_wait3A_58] : memref<32x5x25x80xi32, #tpu.memory_space<hbm>> -> memref<1x1x25x80xi32, #tpu.memory_space<hbm>>
        %dma_wait3A_60 = tpu.memref_squeeze %dma_wait3A_59 : memref<1x1x25x80xi32, #tpu.memory_space<hbm>> -> memref<25x80xi32, #tpu.memory_space<hbm>>
        %dma_wait3A_61 = arith.constant 0 : i32
        %dma_wait3A_62 = arith.constant 0 : i32
        %dma_wait3A_63 = tpu.memref_slice %arg4[%add3A, %scan3A_23, %dma_wait3A_61, %dma_wait3A_62] : memref<32x5x25x80xi32, #tpu.memory_space<hbm>> -> memref<1x1x25x80xi32, #tpu.memory_space<hbm>>
        %dma_wait3A_64 = tpu.memref_squeeze %dma_wait3A_63 : memref<1x1x25x80xi32, #tpu.memory_space<hbm>> -> memref<25x80xi32, #tpu.memory_space<hbm>>
        tpu.wait_dma2 semaphore(%run_scoped3A : memref<!tpu.dma_semaphore, #tpu.memory_space<semaphore_mem>>) src(%dma_wait3A_64 : memref<25x80xi32, #tpu.memory_space<hbm>>) dst(%arg8 : memref<25x80xi32, #tpu.memory_space<vmem>>)
        tpu.yield
      }) : () -> ()
      %dma_start3A = arith.constant 0 : i32
      %dma_start3A_24 = arith.constant 0 : i32
      %dma_start3A_25 = tpu.memref_slice %arg7[%dma_start3A, %dma_start3A_24] : memref<25x80xi32, #tpu.memory_space<vmem>> -> memref<1x80xi32, #tpu.memory_space<vmem>>
      %dma_start3A_26 = tpu.memref_squeeze %dma_start3A_25 : memref<1x80xi32, #tpu.memory_space<vmem>> -> memref<80xi32, #tpu.memory_space<vmem>>
      %dma_start3A_27 = arith.constant 0 : i32
      %dma_start3A_28 = arith.constant 0 : i32
      %dma_start3A_29 = tpu.memref_slice %arg2[%dma_start3A_27, %dma_start3A_28] : memref<10000x128xf32, #tpu.memory_space<hbm>> -> memref<10000x128xf32, #tpu.memory_space<hbm>>
      tpu.enqueue_indirect_dma source(%dma_start3A_29 : memref<10000x128xf32, #tpu.memory_space<hbm>>) target(%arg9 : memref<80x128xf32, #tpu.memory_space<vmem>>) offsets(%dma_start3A_26 : memref<80xi32, #tpu.memory_space<vmem>>) semaphore(%arg13 : memref<!tpu.dma_semaphore, #tpu.memory_space<semaphore_mem>>)
      %dma_start3A_30 = arith.constant 1 : i32
      %dma_start3A_31 = arith.constant 0 : i32
      %dma_start3A_32 = tpu.memref_slice %arg7[%dma_start3A_30, %dma_start3A_31] : memref<25x80xi32, #tpu.memory_space<vmem>> -> memref<1x80xi32, #tpu.memory_space<vmem>>
      %dma_start3A_33 = tpu.memref_squeeze %dma_start3A_32 : memref<1x80xi32, #tpu.memory_space<vmem>> -> memref<80xi32, #tpu.memory_space<vmem>>
      %dma_start3A_34 = arith.constant 0 : i32
      %dma_start3A_35 = arith.constant 0 : i32
      %dma_start3A_36 = tpu.memref_slice %arg2[%dma_start3A_34, %dma_start3A_35] : memref<10000x128xf32, #tpu.memory_space<hbm>> -> memref<10000x128xf32, #tpu.memory_space<hbm>>
      tpu.enqueue_indirect_dma source(%dma_start3A_36 : memref<10000x128xf32, #tpu.memory_space<hbm>>) target(%arg10 : memref<80x128xf32, #tpu.memory_space<vmem>>) offsets(%dma_start3A_33 : memref<80xi32, #tpu.memory_space<vmem>>) semaphore(%arg14 : memref<!tpu.dma_semaphore, #tpu.memory_space<semaphore_mem>>)
      %dma_start3A_37 = arith.constant 2 : i32
      %dma_start3A_38 = arith.constant 0 : i32
      %dma_start3A_39 = tpu.memref_slice %arg7[%dma_start3A_37, %dma_start3A_38] : memref<25x80xi32, #tpu.memory_space<vmem>> -> memref<1x80xi32, #tpu.memory_space<vmem>>
      %dma_start3A_40 = tpu.memref_squeeze %dma_start3A_39 : memref<1x80xi32, #tpu.memory_space<vmem>> -> memref<80xi32, #tpu.memory_space<vmem>>
      %dma_start3A_41 = arith.constant 0 : i32
      %dma_start3A_42 = arith.constant 0 : i32
      %dma_start3A_43 = tpu.memref_slice %arg2[%dma_start3A_41, %dma_start3A_42] : memref<10000x128xf32, #tpu.memory_space<hbm>> -> memref<10000x128xf32, #tpu.memory_space<hbm>>
      tpu.enqueue_indirect_dma source(%dma_start3A_43 : memref<10000x128xf32, #tpu.memory_space<hbm>>) target(%arg11 : memref<80x128xf32, #tpu.memory_space<vmem>>) offsets(%dma_start3A_40 : memref<80xi32, #tpu.memory_space<vmem>>) semaphore(%arg15 : memref<!tpu.dma_semaphore, #tpu.memory_space<semaphore_mem>>)
      %scan3A_44 = arith.constant 0 : i32
      %scan3A_45 = arith.constant 0 : i32
      %scan3A_46 = arith.constant 9 : i32
      %scan3A_47 = arith.addi %scan3A_45, %scan3A_46 : i32
      %scan3A_48 = arith.constant 1 : i32
      scf.for %scan3A_50 = %scan3A_45 to %scan3A_47 step %scan3A_48  : i32 {
        %mul3A_51 = arith.constant 3 : i32
        %mul3A_52 = arith.muli %mul3A_51, %scan3A_50 : i32
        %add3A_53 = arith.constant 0 : i32
        %add3A_54 = arith.addi %mul3A_52, %add3A_53 : i32
        %le3A = arith.constant 24 : i32
        %le3A_55 = arith.cmpi sle, %add3A_54, %le3A : i32
        %convert_element_type3A_56 = arith.extui %le3A_55 : i1 to i32
        %cond3A_57 = arith.constant 0 : i32
        %cond3A_58 = arith.cmpi ne, %convert_element_type3A_56, %cond3A_57 : i32
        scf.if %cond3A_58 {
          %scan3A_77 = arith.constant 0 : i32
          %scan3A_78 = arith.constant 0 : i32
          %scan3A_79 = arith.constant 5 : i32
          %scan3A_80 = arith.addi %scan3A_78, %scan3A_79 : i32
          %scan3A_81 = arith.constant 1 : i32
          scf.for %scan3A_95 = %scan3A_78 to %scan3A_80 step %scan3A_81  : i32 {
            %mul3A_96 = arith.constant 16 : i32
            %mul3A_97 = arith.muli %scan3A_95, %mul3A_96 : i32
            %get3A = arith.index_cast %add3A_54 : i32 to index
            %get3A_98 = arith.index_cast %mul3A_97 : i32 to index
            %get3A_99 = tpu.vector_load %arg7[%get3A, %get3A_98] {strides = array<i32>} : memref<25x80xi32, #tpu.memory_space<vmem>>, vector<1x16xi32>,
            %get3A_100 = vector.shape_cast %get3A_99 : vector<1x16xi32> to vector<16xi32>
            %mul3A_101 = arith.constant 16 : i32
            %mul3A_102 = arith.muli %scan3A_95, %mul3A_101 : i32
            %get3A_103 = arith.index_cast %add3A_54 : i32 to index
            %get3A_104 = arith.index_cast %mul3A_102 : i32 to index
            %get3A_105 = tpu.vector_load %arg8[%get3A_103, %get3A_104] {strides = array<i32>} : memref<25x80xi32, #tpu.memory_space<vmem>>, vector<1x16xi32>,
            %get3A_106 = vector.shape_cast %get3A_105 : vector<1x16xi32> to vector<16xi32>
            %eq3A_107 = arith.cmpi eq, %get3A_100, %get3A_106 : vector<16xi32>
            %jit3A = arith.constant 10000 : i32
            %broadcast_in_dim3A = vector.broadcast %jit3A : i32 to vector<16xi32>
            %select_n3A = arith.select %eq3A_107, %broadcast_in_dim3A, %get3A_106 : vector<16xi1>, vector<16xi32>
            %mul3A_108 = arith.constant 16 : i32
            %mul3A_109 = arith.muli %scan3A_95, %mul3A_108 : i32
            %swap3A = arith.index_cast %add3A_54 : i32 to index
            %swap3A_110 = arith.index_cast %mul3A_109 : i32 to index
            %swap3A_111 = tpu.vector_load %arg8[%swap3A, %swap3A_110] {strides = array<i32>} : memref<25x80xi32, #tpu.memory_space<vmem>>, vector<1x16xi32>,
            %swap3A_112 = vector.shape_cast %swap3A_111 : vector<1x16xi32> to vector<16xi32>
            %swap3A_113 = vector.shape_cast %select_n3A : vector<16xi32> to vector<1x16xi32>
            tpu.vector_store %arg8[%swap3A, %swap3A_110], %swap3A_113 {strides = array<i32>} : memref<25x80xi32, #tpu.memory_space<vmem>>, vector<1x16xi32>,
          }
          %scan3A_82 = arith.constant 5 : i32
          %dma_wait3A = arith.constant 0 : i32
          %dma_wait3A_83 = tpu.memref_slice %arg7[%add3A_54, %dma_wait3A] : memref<25x80xi32, #tpu.memory_space<vmem>> -> memref<1x80xi32, #tpu.memory_space<vmem>>
          %dma_wait3A_84 = tpu.memref_squeeze %dma_wait3A_83 : memref<1x80xi32, #tpu.memory_space<vmem>> -> memref<80xi32, #tpu.memory_space<vmem>>
          %dma_wait3A_85 = arith.constant 0 : i32
          %dma_wait3A_86 = arith.constant 0 : i32
          %dma_wait3A_87 = tpu.memref_slice %arg2[%dma_wait3A_85, %dma_wait3A_86] : memref<10000x128xf32, #tpu.memory_space<hbm>> -> memref<10000x128xf32, #tpu.memory_space<hbm>>
          tpu.wait_indirect_dma semaphore(%arg13 : memref<!tpu.dma_semaphore, #tpu.memory_space<semaphore_mem>>) src(%dma_wait3A_87 : memref<10000x128xf32, #tpu.memory_space<hbm>>) dst(%arg9 : memref<80x128xf32, #tpu.memory_space<vmem>>)
          "tpu.region"() ({
            %run_scoped3A = tpu.sem_alloc : memref<!tpu.dma_semaphore, #tpu.memory_space<semaphore_mem>>
            %dma_start3A_95 = arith.constant 0 : i32
            %dma_start3A_96 = tpu.memref_slice %arg8[%add3A_54, %dma_start3A_95] : memref<25x80xi32, #tpu.memory_space<vmem>> -> memref<1x80xi32, #tpu.memory_space<vmem>>
            %dma_start3A_97 = tpu.memref_squeeze %dma_start3A_96 : memref<1x80xi32, #tpu.memory_space<vmem>> -> memref<80xi32, #tpu.memory_space<vmem>>
            %dma_start3A_98 = arith.constant 0 : i32
            %dma_start3A_99 = arith.constant 0 : i32
            %dma_start3A_100 = tpu.memref_slice %arg12[%dma_start3A_98, %dma_start3A_99] : memref<10008x128xf32, #tpu.memory_space<vmem_shared>> -> memref<10008x128xf32, #tpu.memory_space<vmem_shared>>
            tpu.enqueue_indirect_dma source(%arg9 : memref<80x128xf32, #tpu.memory_space<vmem>>) target(%dma_start3A_100 : memref<10008x128xf32, #tpu.memory_space<vmem_shared>>) offsets(%dma_start3A_97 : memref<80xi32, #tpu.memory_space<vmem>>) semaphore(%run_scoped3A : memref<!tpu.dma_semaphore, #tpu.memory_space<semaphore_mem>>) {add = true}
            %dma_wait3A_101 = arith.constant 0 : i32
            %dma_wait3A_102 = tpu.memref_slice %arg8[%add3A_54, %dma_wait3A_101] : memref<25x80xi32, #tpu.memory_space<vmem>> -> memref<1x80xi32, #tpu.memory_space<vmem>>
            %dma_wait3A_103 = tpu.memref_squeeze %dma_wait3A_102 : memref<1x80xi32, #tpu.memory_space<vmem>> -> memref<80xi32, #tpu.memory_space<vmem>>
            %dma_wait3A_104 = arith.constant 0 : i32
            %dma_wait3A_105 = arith.constant 0 : i32
            %dma_wait3A_106 = tpu.memref_slice %arg12[%dma_wait3A_104, %dma_wait3A_105] : memref<10008x128xf32, #tpu.memory_space<vmem_shared>> -> memref<10008x128xf32, #tpu.memory_space<vmem_shared>>
            tpu.wait_indirect_dma semaphore(%run_scoped3A : memref<!tpu.dma_semaphore, #tpu.memory_space<semaphore_mem>>) src(%arg9 : memref<80x128xf32, #tpu.memory_space<vmem>>) dst(%dma_wait3A_106 : memref<10008x128xf32, #tpu.memory_space<vmem_shared>>)
            tpu.yield
          }) : () -> ()
          %add3A_88 = arith.constant 3 : i32
          %add3A_89 = arith.addi %add3A_54, %add3A_88 : i32
          %le3A_90 = arith.constant 24 : i32
          %le3A_91 = arith.cmpi sle, %add3A_89, %le3A_90 : i32
          %convert_element_type3A_92 = arith.extui %le3A_91 : i1 to i32
          %cond3A_93 = arith.constant 0 : i32
          %cond3A_94 = arith.cmpi ne, %convert_element_type3A_92, %cond3A_93 : i32
          scf.if %cond3A_94 {
            %add3A_95 = arith.constant 3 : i32
            %add3A_96 = arith.addi %add3A_54, %add3A_95 : i32
            %dma_start3A_97 = arith.constant 0 : i32
            %dma_start3A_98 = tpu.memref_slice %arg7[%add3A_96, %dma_start3A_97] : memref<25x80xi32, #tpu.memory_space<vmem>> -> memref<1x80xi32, #tpu.memory_space<vmem>>
            %dma_start3A_99 = tpu.memref_squeeze %dma_start3A_98 : memref<1x80xi32, #tpu.memory_space<vmem>> -> memref<80xi32, #tpu.memory_space<vmem>>
            %dma_start3A_100 = arith.constant 0 : i32
            %dma_start3A_101 = arith.constant 0 : i32
            %dma_start3A_102 = tpu.memref_slice %arg2[%dma_start3A_100, %dma_start3A_101] : memref<10000x128xf32, #tpu.memory_space<hbm>> -> memref<10000x128xf32, #tpu.memory_space<hbm>>
            tpu.enqueue_indirect_dma source(%dma_start3A_102 : memref<10000x128xf32, #tpu.memory_space<hbm>>) target(%arg9 : memref<80x128xf32, #tpu.memory_space<vmem>>) offsets(%dma_start3A_99 : memref<80xi32, #tpu.memory_space<vmem>>) semaphore(%arg13 : memref<!tpu.dma_semaphore, #tpu.memory_space<semaphore_mem>>)
          } else {
          }
        } else {
        }
        %mul3A_59 = arith.constant 3 : i32
        %mul3A_60 = arith.muli %mul3A_59, %scan3A_50 : i32
        %add3A_61 = arith.constant 1 : i32
        %add3A_62 = arith.addi %mul3A_60, %add3A_61 : i32
        %le3A_63 = arith.constant 24 : i32
        %le3A_64 = arith.cmpi sle, %add3A_62, %le3A_63 : i32
        %convert_element_type3A_65 = arith.extui %le3A_64 : i1 to i32
        %cond3A_66 = arith.constant 0 : i32
        %cond3A_67 = arith.cmpi ne, %convert_element_type3A_65, %cond3A_66 : i32
        scf.if %cond3A_67 {
          %scan3A_77 = arith.constant 0 : i32
          %scan3A_78 = arith.constant 0 : i32
          %scan3A_79 = arith.constant 5 : i32
          %scan3A_80 = arith.addi %scan3A_78, %scan3A_79 : i32
          %scan3A_81 = arith.constant 1 : i32
          scf.for %scan3A_95 = %scan3A_78 to %scan3A_80 step %scan3A_81  : i32 {
            %mul3A_96 = arith.constant 16 : i32
            %mul3A_97 = arith.muli %scan3A_95, %mul3A_96 : i32
            %get3A = arith.index_cast %add3A_62 : i32 to index
            %get3A_98 = arith.index_cast %mul3A_97 : i32 to index
            %get3A_99 = tpu.vector_load %arg7[%get3A, %get3A_98] {strides = array<i32>} : memref<25x80xi32, #tpu.memory_space<vmem>>, vector<1x16xi32>,
            %get3A_100 = vector.shape_cast %get3A_99 : vector<1x16xi32> to vector<16xi32>
            %mul3A_101 = arith.constant 16 : i32
            %mul3A_102 = arith.muli %scan3A_95, %mul3A_101 : i32
            %get3A_103 = arith.index_cast %add3A_62 : i32 to index
            %get3A_104 = arith.index_cast %mul3A_102 : i32 to index
            %get3A_105 = tpu.vector_load %arg8[%get3A_103, %get3A_104] {strides = array<i32>} : memref<25x80xi32, #tpu.memory_space<vmem>>, vector<1x16xi32>,
            %get3A_106 = vector.shape_cast %get3A_105 : vector<1x16xi32> to vector<16xi32>
            %eq3A_107 = arith.cmpi eq, %get3A_100, %get3A_106 : vector<16xi32>
            %jit3A = arith.constant 10000 : i32
            %broadcast_in_dim3A = vector.broadcast %jit3A : i32 to vector<16xi32>
            %select_n3A = arith.select %eq3A_107, %broadcast_in_dim3A, %get3A_106 : vector<16xi1>, vector<16xi32>
            %mul3A_108 = arith.constant 16 : i32
            %mul3A_109 = arith.muli %scan3A_95, %mul3A_108 : i32
            %swap3A = arith.index_cast %add3A_62 : i32 to index
            %swap3A_110 = arith.index_cast %mul3A_109 : i32 to index
            %swap3A_111 = tpu.vector_load %arg8[%swap3A, %swap3A_110] {strides = array<i32>} : memref<25x80xi32, #tpu.memory_space<vmem>>, vector<1x16xi32>,
            %swap3A_112 = vector.shape_cast %swap3A_111 : vector<1x16xi32> to vector<16xi32>
            %swap3A_113 = vector.shape_cast %select_n3A : vector<16xi32> to vector<1x16xi32>
            tpu.vector_store %arg8[%swap3A, %swap3A_110], %swap3A_113 {strides = array<i32>} : memref<25x80xi32, #tpu.memory_space<vmem>>, vector<1x16xi32>,
          }
          %scan3A_82 = arith.constant 5 : i32
          %dma_wait3A = arith.constant 0 : i32
          %dma_wait3A_83 = tpu.memref_slice %arg7[%add3A_62, %dma_wait3A] : memref<25x80xi32, #tpu.memory_space<vmem>> -> memref<1x80xi32, #tpu.memory_space<vmem>>
          %dma_wait3A_84 = tpu.memref_squeeze %dma_wait3A_83 : memref<1x80xi32, #tpu.memory_space<vmem>> -> memref<80xi32, #tpu.memory_space<vmem>>
          %dma_wait3A_85 = arith.constant 0 : i32
          %dma_wait3A_86 = arith.constant 0 : i32
          %dma_wait3A_87 = tpu.memref_slice %arg2[%dma_wait3A_85, %dma_wait3A_86] : memref<10000x128xf32, #tpu.memory_space<hbm>> -> memref<10000x128xf32, #tpu.memory_space<hbm>>
          tpu.wait_indirect_dma semaphore(%arg14 : memref<!tpu.dma_semaphore, #tpu.memory_space<semaphore_mem>>) src(%dma_wait3A_87 : memref<10000x128xf32, #tpu.memory_space<hbm>>) dst(%arg10 : memref<80x128xf32, #tpu.memory_space<vmem>>)
          "tpu.region"() ({
            %run_scoped3A = tpu.sem_alloc : memref<!tpu.dma_semaphore, #tpu.memory_space<semaphore_mem>>
            %dma_start3A_95 = arith.constant 0 : i32
            %dma_start3A_96 = tpu.memref_slice %arg8[%add3A_62, %dma_start3A_95] : memref<25x80xi32, #tpu.memory_space<vmem>> -> memref<1x80xi32, #tpu.memory_space<vmem>>
            %dma_start3A_97 = tpu.memref_squeeze %dma_start3A_96 : memref<1x80xi32, #tpu.memory_space<vmem>> -> memref<80xi32, #tpu.memory_space<vmem>>
            %dma_start3A_98 = arith.constant 0 : i32
            %dma_start3A_99 = arith.constant 0 : i32
            %dma_start3A_100 = tpu.memref_slice %arg12[%dma_start3A_98, %dma_start3A_99] : memref<10008x128xf32, #tpu.memory_space<vmem_shared>> -> memref<10008x128xf32, #tpu.memory_space<vmem_shared>>
            tpu.enqueue_indirect_dma source(%arg10 : memref<80x128xf32, #tpu.memory_space<vmem>>) target(%dma_start3A_100 : memref<10008x128xf32, #tpu.memory_space<vmem_shared>>) offsets(%dma_start3A_97 : memref<80xi32, #tpu.memory_space<vmem>>) semaphore(%run_scoped3A : memref<!tpu.dma_semaphore, #tpu.memory_space<semaphore_mem>>) {add = true}
            %dma_wait3A_101 = arith.constant 0 : i32
            %dma_wait3A_102 = tpu.memref_slice %arg8[%add3A_62, %dma_wait3A_101] : memref<25x80xi32, #tpu.memory_space<vmem>> -> memref<1x80xi32, #tpu.memory_space<vmem>>
            %dma_wait3A_103 = tpu.memref_squeeze %dma_wait3A_102 : memref<1x80xi32, #tpu.memory_space<vmem>> -> memref<80xi32, #tpu.memory_space<vmem>>
            %dma_wait3A_104 = arith.constant 0 : i32
            %dma_wait3A_105 = arith.constant 0 : i32
            %dma_wait3A_106 = tpu.memref_slice %arg12[%dma_wait3A_104, %dma_wait3A_105] : memref<10008x128xf32, #tpu.memory_space<vmem_shared>> -> memref<10008x128xf32, #tpu.memory_space<vmem_shared>>
            tpu.wait_indirect_dma semaphore(%run_scoped3A : memref<!tpu.dma_semaphore, #tpu.memory_space<semaphore_mem>>) src(%arg10 : memref<80x128xf32, #tpu.memory_space<vmem>>) dst(%dma_wait3A_106 : memref<10008x128xf32, #tpu.memory_space<vmem_shared>>)
            tpu.yield
          }) : () -> ()
          %add3A_88 = arith.constant 3 : i32
          %add3A_89 = arith.addi %add3A_62, %add3A_88 : i32
          %le3A_90 = arith.constant 24 : i32
          %le3A_91 = arith.cmpi sle, %add3A_89, %le3A_90 : i32
          %convert_element_type3A_92 = arith.extui %le3A_91 : i1 to i32
          %cond3A_93 = arith.constant 0 : i32
          %cond3A_94 = arith.cmpi ne, %convert_element_type3A_92, %cond3A_93 : i32
          scf.if %cond3A_94 {
            %add3A_95 = arith.constant 3 : i32
            %add3A_96 = arith.addi %add3A_62, %add3A_95 : i32
            %dma_start3A_97 = arith.constant 0 : i32
            %dma_start3A_98 = tpu.memref_slice %arg7[%add3A_96, %dma_start3A_97] : memref<25x80xi32, #tpu.memory_space<vmem>> -> memref<1x80xi32, #tpu.memory_space<vmem>>
            %dma_start3A_99 = tpu.memref_squeeze %dma_start3A_98 : memref<1x80xi32, #tpu.memory_space<vmem>> -> memref<80xi32, #tpu.memory_space<vmem>>
            %dma_start3A_100 = arith.constant 0 : i32
            %dma_start3A_101 = arith.constant 0 : i32
            %dma_start3A_102 = tpu.memref_slice %arg2[%dma_start3A_100, %dma_start3A_101] : memref<10000x128xf32, #tpu.memory_space<hbm>> -> memref<10000x128xf32, #tpu.memory_space<hbm>>
            tpu.enqueue_indirect_dma source(%dma_start3A_102 : memref<10000x128xf32, #tpu.memory_space<hbm>>) target(%arg10 : memref<80x128xf32, #tpu.memory_space<vmem>>) offsets(%dma_start3A_99 : memref<80xi32, #tpu.memory_space<vmem>>) semaphore(%arg14 : memref<!tpu.dma_semaphore, #tpu.memory_space<semaphore_mem>>)
          } else {
          }
        } else {
        }
        %mul3A_68 = arith.constant 3 : i32
        %mul3A_69 = arith.muli %mul3A_68, %scan3A_50 : i32
        %add3A_70 = arith.constant 2 : i32
        %add3A_71 = arith.addi %mul3A_69, %add3A_70 : i32
        %le3A_72 = arith.constant 24 : i32
        %le3A_73 = arith.cmpi sle, %add3A_71, %le3A_72 : i32
        %convert_element_type3A_74 = arith.extui %le3A_73 : i1 to i32
        %cond3A_75 = arith.constant 0 : i32
        %cond3A_76 = arith.cmpi ne, %convert_element_type3A_74, %cond3A_75 : i32
        scf.if %cond3A_76 {
          %scan3A_77 = arith.constant 0 : i32
          %scan3A_78 = arith.constant 0 : i32
          %scan3A_79 = arith.constant 5 : i32
          %scan3A_80 = arith.addi %scan3A_78, %scan3A_79 : i32
          %scan3A_81 = arith.constant 1 : i32
          scf.for %scan3A_95 = %scan3A_78 to %scan3A_80 step %scan3A_81  : i32 {
            %mul3A_96 = arith.constant 16 : i32
            %mul3A_97 = arith.muli %scan3A_95, %mul3A_96 : i32
            %get3A = arith.index_cast %add3A_71 : i32 to index
            %get3A_98 = arith.index_cast %mul3A_97 : i32 to index
            %get3A_99 = tpu.vector_load %arg7[%get3A, %get3A_98] {strides = array<i32>} : memref<25x80xi32, #tpu.memory_space<vmem>>, vector<1x16xi32>,
            %get3A_100 = vector.shape_cast %get3A_99 : vector<1x16xi32> to vector<16xi32>
            %mul3A_101 = arith.constant 16 : i32
            %mul3A_102 = arith.muli %scan3A_95, %mul3A_101 : i32
            %get3A_103 = arith.index_cast %add3A_71 : i32 to index
            %get3A_104 = arith.index_cast %mul3A_102 : i32 to index
            %get3A_105 = tpu.vector_load %arg8[%get3A_103, %get3A_104] {strides = array<i32>} : memref<25x80xi32, #tpu.memory_space<vmem>>, vector<1x16xi32>,
            %get3A_106 = vector.shape_cast %get3A_105 : vector<1x16xi32> to vector<16xi32>
            %eq3A_107 = arith.cmpi eq, %get3A_100, %get3A_106 : vector<16xi32>
            %jit3A = arith.constant 10000 : i32
            %broadcast_in_dim3A = vector.broadcast %jit3A : i32 to vector<16xi32>
            %select_n3A = arith.select %eq3A_107, %broadcast_in_dim3A, %get3A_106 : vector<16xi1>, vector<16xi32>
            %mul3A_108 = arith.constant 16 : i32
            %mul3A_109 = arith.muli %scan3A_95, %mul3A_108 : i32
            %swap3A = arith.index_cast %add3A_71 : i32 to index
            %swap3A_110 = arith.index_cast %mul3A_109 : i32 to index
            %swap3A_111 = tpu.vector_load %arg8[%swap3A, %swap3A_110] {strides = array<i32>} : memref<25x80xi32, #tpu.memory_space<vmem>>, vector<1x16xi32>,
            %swap3A_112 = vector.shape_cast %swap3A_111 : vector<1x16xi32> to vector<16xi32>
            %swap3A_113 = vector.shape_cast %select_n3A : vector<16xi32> to vector<1x16xi32>
            tpu.vector_store %arg8[%swap3A, %swap3A_110], %swap3A_113 {strides = array<i32>} : memref<25x80xi32, #tpu.memory_space<vmem>>, vector<1x16xi32>,
          }
          %scan3A_82 = arith.constant 5 : i32
          %dma_wait3A = arith.constant 0 : i32
          %dma_wait3A_83 = tpu.memref_slice %arg7[%add3A_71, %dma_wait3A] : memref<25x80xi32, #tpu.memory_space<vmem>> -> memref<1x80xi32, #tpu.memory_space<vmem>>
          %dma_wait3A_84 = tpu.memref_squeeze %dma_wait3A_83 : memref<1x80xi32, #tpu.memory_space<vmem>> -> memref<80xi32, #tpu.memory_space<vmem>>
          %dma_wait3A_85 = arith.constant 0 : i32
          %dma_wait3A_86 = arith.constant 0 : i32
          %dma_wait3A_87 = tpu.memref_slice %arg2[%dma_wait3A_85, %dma_wait3A_86] : memref<10000x128xf32, #tpu.memory_space<hbm>> -> memref<10000x128xf32, #tpu.memory_space<hbm>>
          tpu.wait_indirect_dma semaphore(%arg15 : memref<!tpu.dma_semaphore, #tpu.memory_space<semaphore_mem>>) src(%dma_wait3A_87 : memref<10000x128xf32, #tpu.memory_space<hbm>>) dst(%arg11 : memref<80x128xf32, #tpu.memory_space<vmem>>)
          "tpu.region"() ({
            %run_scoped3A = tpu.sem_alloc : memref<!tpu.dma_semaphore, #tpu.memory_space<semaphore_mem>>
            %dma_start3A_95 = arith.constant 0 : i32
            %dma_start3A_96 = tpu.memref_slice %arg8[%add3A_71, %dma_start3A_95] : memref<25x80xi32, #tpu.memory_space<vmem>> -> memref<1x80xi32, #tpu.memory_space<vmem>>
            %dma_start3A_97 = tpu.memref_squeeze %dma_start3A_96 : memref<1x80xi32, #tpu.memory_space<vmem>> -> memref<80xi32, #tpu.memory_space<vmem>>
            %dma_start3A_98 = arith.constant 0 : i32
            %dma_start3A_99 = arith.constant 0 : i32
            %dma_start3A_100 = tpu.memref_slice %arg12[%dma_start3A_98, %dma_start3A_99] : memref<10008x128xf32, #tpu.memory_space<vmem_shared>> -> memref<10008x128xf32, #tpu.memory_space<vmem_shared>>
            tpu.enqueue_indirect_dma source(%arg11 : memref<80x128xf32, #tpu.memory_space<vmem>>) target(%dma_start3A_100 : memref<10008x128xf32, #tpu.memory_space<vmem_shared>>) offsets(%dma_start3A_97 : memref<80xi32, #tpu.memory_space<vmem>>) semaphore(%run_scoped3A : memref<!tpu.dma_semaphore, #tpu.memory_space<semaphore_mem>>) {add = true}
            %dma_wait3A_101 = arith.constant 0 : i32
            %dma_wait3A_102 = tpu.memref_slice %arg8[%add3A_71, %dma_wait3A_101] : memref<25x80xi32, #tpu.memory_space<vmem>> -> memref<1x80xi32, #tpu.memory_space<vmem>>
            %dma_wait3A_103 = tpu.memref_squeeze %dma_wait3A_102 : memref<1x80xi32, #tpu.memory_space<vmem>> -> memref<80xi32, #tpu.memory_space<vmem>>
            %dma_wait3A_104 = arith.constant 0 : i32
            %dma_wait3A_105 = arith.constant 0 : i32
            %dma_wait3A_106 = tpu.memref_slice %arg12[%dma_wait3A_104, %dma_wait3A_105] : memref<10008x128xf32, #tpu.memory_space<vmem_shared>> -> memref<10008x128xf32, #tpu.memory_space<vmem_shared>>
            tpu.wait_indirect_dma semaphore(%run_scoped3A : memref<!tpu.dma_semaphore, #tpu.memory_space<semaphore_mem>>) src(%arg11 : memref<80x128xf32, #tpu.memory_space<vmem>>) dst(%dma_wait3A_106 : memref<10008x128xf32, #tpu.memory_space<vmem_shared>>)
            tpu.yield
          }) : () -> ()
          %add3A_88 = arith.constant 3 : i32
          %add3A_89 = arith.addi %add3A_71, %add3A_88 : i32
          %le3A_90 = arith.constant 24 : i32
          %le3A_91 = arith.cmpi sle, %add3A_89, %le3A_90 : i32
          %convert_element_type3A_92 = arith.extui %le3A_91 : i1 to i32
          %cond3A_93 = arith.constant 0 : i32
          %cond3A_94 = arith.cmpi ne, %convert_element_type3A_92, %cond3A_93 : i32
          scf.if %cond3A_94 {
            %add3A_95 = arith.constant 3 : i32
            %add3A_96 = arith.addi %add3A_71, %add3A_95 : i32
            %dma_start3A_97 = arith.constant 0 : i32
            %dma_start3A_98 = tpu.memref_slice %arg7[%add3A_96, %dma_start3A_97] : memref<25x80xi32, #tpu.memory_space<vmem>> -> memref<1x80xi32, #tpu.memory_space<vmem>>
            %dma_start3A_99 = tpu.memref_squeeze %dma_start3A_98 : memref<1x80xi32, #tpu.memory_space<vmem>> -> memref<80xi32, #tpu.memory_space<vmem>>
            %dma_start3A_100 = arith.constant 0 : i32
            %dma_start3A_101 = arith.constant 0 : i32
            %dma_start3A_102 = tpu.memref_slice %arg2[%dma_start3A_100, %dma_start3A_101] : memref<10000x128xf32, #tpu.memory_space<hbm>> -> memref<10000x128xf32, #tpu.memory_space<hbm>>
            tpu.enqueue_indirect_dma source(%dma_start3A_102 : memref<10000x128xf32, #tpu.memory_space<hbm>>) target(%arg11 : memref<80x128xf32, #tpu.memory_space<vmem>>) offsets(%dma_start3A_99 : memref<80xi32, #tpu.memory_space<vmem>>) semaphore(%arg15 : memref<!tpu.dma_semaphore, #tpu.memory_space<semaphore_mem>>)
          } else {
          }
        } else {
        }
      }
      %scan3A_49 = arith.constant 9 : i32
    }
    %scan3A_11 = arith.constant 5 : i32
    %barrier3A_12 = arith.constant 0 : index
    tpu.barrier barrier_id(%barrier3A_12)
    %lt3A_13 = arith.constant 15 : i32
    %lt3A_14 = arith.cmpi slt, %arg1, %lt3A_13 : i32
    %convert_element_type3A_15 = arith.extui %lt3A_14 : i1 to i32
    %cond3A_16 = arith.constant 0 : i32
    %cond3A_17 = arith.cmpi ne, %convert_element_type3A_15, %cond3A_16 : i32
    scf.if %cond3A_17 {
      %mul3A_23 = arith.constant 640 : i32
      %mul3A_24 = arith.muli %arg1, %mul3A_23 : i32
      %mul3A_25 = arith.constant 10000 : i32
      %mul3A_26 = arith.muli %arg0, %mul3A_25 : i32
      %mul3A_27 = arith.constant 640 : i32
      %mul3A_28 = arith.muli %arg1, %mul3A_27 : i32
      %add3A_29 = arith.addi %mul3A_26, %mul3A_28 : i32
      "tpu.region"() ({
        %run_scoped3A = tpu.sem_alloc : memref<!tpu.dma_semaphore, #tpu.memory_space<semaphore_mem>>
        %dma_start3A = arith.constant 0 : i32
        %dma_start3A_30 = tpu.memref_slice %arg6[%add3A_29, %dma_start3A] : memref<20000x128xf32, #tpu.memory_space<hbm>> -> memref<640x128xf32, #tpu.memory_space<hbm>>
        %dma_start3A_31 = arith.constant 0 : i32
        %dma_start3A_32 = tpu.memref_slice %arg12[%mul3A_24, %dma_start3A_31] : memref<10008x128xf32, #tpu.memory_space<vmem_shared>> -> memref<640x128xf32, #tpu.memory_space<vmem_shared>>
        tpu.enqueue_dma source(%dma_start3A_32 : memref<640x128xf32, #tpu.memory_space<vmem_shared>>) target(%dma_start3A_30 : memref<640x128xf32, #tpu.memory_space<hbm>>) target_semaphore(%run_scoped3A : memref<!tpu.dma_semaphore, #tpu.memory_space<semaphore_mem>>)
        %dma_wait3A = arith.constant 0 : i32
        %dma_wait3A_33 = tpu.memref_slice %arg6[%add3A_29, %dma_wait3A] : memref<20000x128xf32, #tpu.memory_space<hbm>> -> memref<640x128xf32, #tpu.memory_space<hbm>>
        %dma_wait3A_34 = arith.constant 0 : i32
        %dma_wait3A_35 = tpu.memref_slice %arg12[%mul3A_24, %dma_wait3A_34] : memref<10008x128xf32, #tpu.memory_space<vmem_shared>> -> memref<640x128xf32, #tpu.memory_space<vmem_shared>>
        tpu.wait_dma2 semaphore(%run_scoped3A : memref<!tpu.dma_semaphore, #tpu.memory_space<semaphore_mem>>) src(%dma_wait3A_35 : memref<640x128xf32, #tpu.memory_space<vmem_shared>>) dst(%dma_wait3A_33 : memref<640x128xf32, #tpu.memory_space<hbm>>)
        tpu.yield
      }) : () -> ()
    } else {
    }
    %eq3A_18 = arith.constant 15 : i32
    %eq3A_19 = arith.cmpi eq, %arg1, %eq3A_18 : i32
    %convert_element_type3A_20 = arith.extui %eq3A_19 : i1 to i32
    %cond3A_21 = arith.constant 0 : i32
    %cond3A_22 = arith.cmpi ne, %convert_element_type3A_20, %cond3A_21 : i32
    scf.if %cond3A_22 {
      %mul3A_23 = arith.constant 10000 : i32
      %mul3A_24 = arith.muli %arg0, %mul3A_23 : i32
      %add3A_25 = arith.constant 9600 : i32
      %add3A_26 = arith.addi %mul3A_24, %add3A_25 : i32
      "tpu.region"() ({
        %run_scoped3A = tpu.sem_alloc : memref<!tpu.dma_semaphore, #tpu.memory_space<semaphore_mem>>
        %dma_start3A = arith.constant 0 : i32
        %dma_start3A_27 = tpu.memref_slice %arg6[%add3A_26, %dma_start3A] : memref<20000x128xf32, #tpu.memory_space<hbm>> -> memref<400x128xf32, #tpu.memory_space<hbm>>
        %dma_start3A_28 = arith.constant 9600 : i32
        %dma_start3A_29 = arith.constant 0 : i32
        %dma_start3A_30 = tpu.memref_slice %arg12[%dma_start3A_28, %dma_start3A_29] : memref<10008x128xf32, #tpu.memory_space<vmem_shared>> -> memref<400x128xf32, #tpu.memory_space<vmem_shared>>
        tpu.enqueue_dma source(%dma_start3A_30 : memref<400x128xf32, #tpu.memory_space<vmem_shared>>) target(%dma_start3A_27 : memref<400x128xf32, #tpu.memory_space<hbm>>) target_semaphore(%run_scoped3A : memref<!tpu.dma_semaphore, #tpu.memory_space<semaphore_mem>>)
        %dma_wait3A = arith.constant 0 : i32
        %dma_wait3A_31 = tpu.memref_slice %arg6[%add3A_26, %dma_wait3A] : memref<20000x128xf32, #tpu.memory_space<hbm>> -> memref<400x128xf32, #tpu.memory_space<hbm>>
        %dma_wait3A_32 = arith.constant 9600 : i32
        %dma_wait3A_33 = arith.constant 0 : i32
        %dma_wait3A_34 = tpu.memref_slice %arg12[%dma_wait3A_32, %dma_wait3A_33] : memref<10008x128xf32, #tpu.memory_space<vmem_shared>> -> memref<400x128xf32, #tpu.memory_space<vmem_shared>>
        tpu.wait_dma2 semaphore(%run_scoped3A : memref<!tpu.dma_semaphore, #tpu.memory_space<semaphore_mem>>) src(%dma_wait3A_34 : memref<400x128xf32, #tpu.memory_space<vmem_shared>>) dst(%dma_wait3A_31 : memref<400x128xf32, #tpu.memory_space<hbm>>)
        tpu.yield
      }) : () -> ()
    } else {
    }
    return
  }
}

module attributes {stable_mosaic.version = 14 : i64} {
  func.func @_fuse1_body(%arg0: i32, %arg1: memref<1000x128xf32, #tpu.memory_space<vmem>>, %arg2: memref<1000x128xf32, #tpu.memory_space<vmem>>, %arg3: memref<1000x128xf32, #tpu.memory_space<vmem>>, %arg4: memref<128x128xf32, #tpu.memory_space<vmem>>, %arg5: memref<1x128xf32, #tpu.memory_space<vmem>>, %arg6: memref<128x128xf32, #tpu.memory_space<vmem>>, %arg7: memref<128x128xf32, #tpu.memory_space<vmem>>, %arg8: memref<1000x128xf32, #tpu.memory_space<vmem>>, %arg9: memref<1000x128xf32, #tpu.memory_space<vmem>>) attributes {dimension_semantics = [#tpu.dimension_semantics<arbitrary>], iteration_bounds = array<i64: 10>, scalar_prefetch = 0 : i64, scratch_operands = 0 : i64, tpu.core_type = #tpu.core_type<tc>, window_params = [{transform_indices = @transform_0, window_bounds = array<i64: 1000, 128>}, {transform_indices = @transform_1, window_bounds = array<i64: 1000, 128>}, {transform_indices = @transform_2, window_bounds = array<i64: 1000, 128>}, {pipeline_mode = #tpu.pipeline_mode<synchronous>, transform_indices = @transform_3, window_bounds = array<i64: 128, 128>}, {pipeline_mode = #tpu.pipeline_mode<synchronous>, transform_indices = @transform_4, window_bounds = array<i64: 1, 128>}, {pipeline_mode = #tpu.pipeline_mode<synchronous>, transform_indices = @transform_5, window_bounds = array<i64: 128, 128>}, {pipeline_mode = #tpu.pipeline_mode<synchronous>, transform_indices = @transform_6, window_bounds = array<i64: 128, 128>}, {transform_indices = @transform_7, window_bounds = array<i64: 1000, 128>}, {transform_indices = @transform_8, window_bounds = array<i64: 1000, 128>}]} {
    %get3A = arith.constant 0 : index
    %get3A_0 = arith.constant 0 : index
    %get3A_1 = vector.load %arg1[%get3A, %get3A_0] : memref<1000x128xf32, #tpu.memory_space<vmem>>, vector<1000x128xf32>
    %get3A_2 = arith.constant 0 : index
    %get3A_3 = arith.constant 0 : index
    %get3A_4 = vector.load %arg2[%get3A_2, %get3A_3] : memref<1000x128xf32, #tpu.memory_space<vmem>>, vector<1000x128xf32>
    %add3A = arith.addf %get3A_1, %get3A_4 : vector<1000x128xf32>
    %get3A_5 = arith.constant 0 : index
    %get3A_6 = arith.constant 0 : index
    %get3A_7 = vector.load %arg5[%get3A_5, %get3A_6] : memref<1x128xf32, #tpu.memory_space<vmem>>, vector<1x128xf32>
    %add3A_8 = vector.broadcast %get3A_7 : vector<1x128xf32> to vector<1000x128xf32>
    %add3A_9 = arith.addf %add3A, %add3A_8 : vector<1000x128xf32>
    %get3A_10 = arith.constant 0 : index
    %get3A_11 = arith.constant 0 : index
    %get3A_12 = vector.load %arg3[%get3A_10, %get3A_11] : memref<1000x128xf32, #tpu.memory_space<vmem>>, vector<1000x128xf32>
    %get3A_13 = arith.constant 0 : index
    %get3A_14 = arith.constant 0 : index
    %get3A_15 = vector.load %arg4[%get3A_13, %get3A_14] : memref<128x128xf32, #tpu.memory_space<vmem>>, vector<128x128xf32>
    %dot_general3A = arith.constant dense<0.000000e+00> : vector<1000x128xf32>
    %dot_general3A_16 = tpu.matmul %get3A_12, %get3A_15, %dot_general3A {dimension_numbers = #tpu.dot_dimension_numbers<[1], [0], [0], [1], [0, 0, 1, 1], [], []>, transpose_lhs_hint = false} : vector<1000x128xf32>, vector<128x128xf32>, vector<1000x128xf32> -> vector<1000x128xf32>
    %add3A_17 = arith.addf %add3A_9, %dot_general3A_16 : vector<1000x128xf32>
    %max3A = arith.constant 0.000000e+00 : f32
    %max3A_18 = vector.broadcast %max3A : f32 to vector<1000x128xf32>
    %max3A_19 = arith.maximumf %add3A_17, %max3A_18 : vector<1000x128xf32>
    %get3A_20 = arith.constant 0 : index
    %get3A_21 = arith.constant 0 : index
    %get3A_22 = vector.load %arg6[%get3A_20, %get3A_21] : memref<128x128xf32, #tpu.memory_space<vmem>>, vector<128x128xf32>
    %dot_general3A_23 = arith.constant dense<0.000000e+00> : vector<1000x128xf32>
    %dot_general3A_24 = tpu.matmul %max3A_19, %get3A_22, %dot_general3A_23 {dimension_numbers = #tpu.dot_dimension_numbers<[1], [0], [0], [1], [0, 0, 1, 1], [], []>, transpose_lhs_hint = false} : vector<1000x128xf32>, vector<128x128xf32>, vector<1000x128xf32> -> vector<1000x128xf32>
    %swap3A = arith.constant 0 : index
    %swap3A_25 = arith.constant 0 : index
    %swap3A_26 = vector.load %arg8[%swap3A, %swap3A_25] : memref<1000x128xf32, #tpu.memory_space<vmem>>, vector<1000x128xf32>
    tpu.vector_store %arg8[%swap3A, %swap3A_25], %dot_general3A_24 {strides = array<i32>} : memref<1000x128xf32, #tpu.memory_space<vmem>>, vector<1000x128xf32>,
    %get3A_27 = arith.constant 0 : index
    %get3A_28 = arith.constant 0 : index
    %get3A_29 = vector.load %arg7[%get3A_27, %get3A_28] : memref<128x128xf32, #tpu.memory_space<vmem>>, vector<128x128xf32>
    %dot_general3A_30 = arith.constant dense<0.000000e+00> : vector<1000x128xf32>
    %dot_general3A_31 = tpu.matmul %max3A_19, %get3A_29, %dot_general3A_30 {dimension_numbers = #tpu.dot_dimension_numbers<[1], [0], [0], [1], [0, 0, 1, 1], [], []>, transpose_lhs_hint = false} : vector<1000x128xf32>, vector<128x128xf32>, vector<1000x128xf32> -> vector<1000x128xf32>
    %swap3A_32 = arith.constant 0 : index
    %swap3A_33 = arith.constant 0 : index
    %swap3A_34 = vector.load %arg9[%swap3A_32, %swap3A_33] : memref<1000x128xf32, #tpu.memory_space<vmem>>, vector<1000x128xf32>
    tpu.vector_store %arg9[%swap3A_32, %swap3A_33], %dot_general3A_31 {strides = array<i32>} : memref<1000x128xf32, #tpu.memory_space<vmem>>, vector<1000x128xf32>,
    return
  }
  func.func @transform_0(%arg0: i32) -> (i32, i32) {
    %c0_i32 = arith.constant 0 : i32
    %c0_i32_0 = arith.constant 0 : i32
    return %arg0, %c0_i32 : i32, i32
  }
  func.func @transform_1(%arg0: i32) -> (i32, i32) {
    %add3A = arith.constant 10 : i32
    %add3A_0 = arith.addi %arg0, %add3A : i32
    %c0_i32 = arith.constant 0 : i32
    %c0_i32_1 = arith.constant 0 : i32
    return %add3A_0, %c0_i32 : i32, i32
  }
  func.func @transform_2(%arg0: i32) -> (i32, i32) {
    %c0_i32 = arith.constant 0 : i32
    %c0_i32_0 = arith.constant 0 : i32
    return %arg0, %c0_i32 : i32, i32
  }
  func.func @transform_3(%arg0: i32) -> (i32, i32) {
    %c0_i32 = arith.constant 0 : i32
    %c0_i32_0 = arith.constant 0 : i32
    %c0_i32_1 = arith.constant 0 : i32
    return %c0_i32, %c0_i32_0 : i32, i32
  }
  func.func @transform_4(%arg0: i32) -> (i32, i32) {
    %c0_i32 = arith.constant 0 : i32
    %c0_i32_0 = arith.constant 0 : i32
    %c0_i32_1 = arith.constant 0 : i32
    return %c0_i32, %c0_i32_0 : i32, i32
  }
  func.func @transform_5(%arg0: i32) -> (i32, i32) {
    %c0_i32 = arith.constant 0 : i32
    %c0_i32_0 = arith.constant 0 : i32
    %c0_i32_1 = arith.constant 0 : i32
    return %c0_i32, %c0_i32_0 : i32, i32
  }
  func.func @transform_6(%arg0: i32) -> (i32, i32) {
    %c0_i32 = arith.constant 0 : i32
    %c0_i32_0 = arith.constant 0 : i32
    %c0_i32_1 = arith.constant 0 : i32
    return %c0_i32, %c0_i32_0 : i32, i32
  }
  func.func @transform_7(%arg0: i32) -> (i32, i32) {
    %c0_i32 = arith.constant 0 : i32
    %c0_i32_0 = arith.constant 0 : i32
    return %arg0, %c0_i32 : i32, i32
  }
  func.func @transform_8(%arg0: i32) -> (i32, i32) {
    %c0_i32 = arith.constant 0 : i32
    %c0_i32_0 = arith.constant 0 : i32
    return %arg0, %c0_i32 : i32, i32
  }
}

module attributes {stable_mosaic.version = 14 : i64} {
  func.func @_mm_body(%arg0: i32, %arg1: memref<1000x128xf32, #tpu.memory_space<vmem>>, %arg2: memref<128x128xf32, #tpu.memory_space<vmem>>, %arg3: memref<1000x128xf32, #tpu.memory_space<vmem>>) attributes {dimension_semantics = [#tpu.dimension_semantics<arbitrary>], iteration_bounds = array<i64: 10>, scalar_prefetch = 0 : i64, scratch_operands = 0 : i64, tpu.core_type = #tpu.core_type<tc>, window_params = [{transform_indices = @transform_0, window_bounds = array<i64: 1000, 128>}, {pipeline_mode = #tpu.pipeline_mode<synchronous>, transform_indices = @transform_1, window_bounds = array<i64: 128, 128>}, {transform_indices = @transform_2, window_bounds = array<i64: 1000, 128>}]} {
    %get3A = arith.constant 0 : index
    %get3A_0 = arith.constant 0 : index
    %get3A_1 = vector.load %arg1[%get3A, %get3A_0] : memref<1000x128xf32, #tpu.memory_space<vmem>>, vector<1000x128xf32>
    %get3A_2 = arith.constant 0 : index
    %get3A_3 = arith.constant 0 : index
    %get3A_4 = vector.load %arg2[%get3A_2, %get3A_3] : memref<128x128xf32, #tpu.memory_space<vmem>>, vector<128x128xf32>
    %dot_general3A = arith.constant dense<0.000000e+00> : vector<1000x128xf32>
    %dot_general3A_5 = tpu.matmul %get3A_1, %get3A_4, %dot_general3A {dimension_numbers = #tpu.dot_dimension_numbers<[1], [0], [0], [1], [0, 0, 1, 1], [], []>, transpose_lhs_hint = false} : vector<1000x128xf32>, vector<128x128xf32>, vector<1000x128xf32> -> vector<1000x128xf32>
    %swap3A = arith.constant 0 : index
    %swap3A_6 = arith.constant 0 : index
    %swap3A_7 = vector.load %arg3[%swap3A, %swap3A_6] : memref<1000x128xf32, #tpu.memory_space<vmem>>, vector<1000x128xf32>
    tpu.vector_store %arg3[%swap3A, %swap3A_6], %dot_general3A_5 {strides = array<i32>} : memref<1000x128xf32, #tpu.memory_space<vmem>>, vector<1000x128xf32>,
    return
  }
  func.func @transform_0(%arg0: i32) -> (i32, i32) {
    %c0_i32 = arith.constant 0 : i32
    %c0_i32_0 = arith.constant 0 : i32
    return %arg0, %c0_i32 : i32, i32
  }
  func.func @transform_1(%arg0: i32) -> (i32, i32) {
    %c0_i32 = arith.constant 0 : i32
    %c0_i32_0 = arith.constant 0 : i32
    %c0_i32_1 = arith.constant 0 : i32
    return %c0_i32, %c0_i32_0 : i32, i32
  }
  func.func @transform_2(%arg0: i32) -> (i32, i32) {
    %c0_i32 = arith.constant 0 : i32
    %c0_i32_0 = arith.constant 0 : i32
    return %arg0, %c0_i32 : i32, i32
  }
}

module attributes {stable_mosaic.version = 14 : i64} {
  func.func @_fuse2_body(%arg0: i32, %arg1: memref<1000x128xf32, #tpu.memory_space<vmem>>, %arg2: memref<1000x128xf32, #tpu.memory_space<vmem>>, %arg3: memref<1000x128xf32, #tpu.memory_space<vmem>>, %arg4: memref<1x128xf32, #tpu.memory_space<vmem>>, %arg5: memref<1000x128xf32, #tpu.memory_space<vmem>>) attributes {dimension_semantics = [#tpu.dimension_semantics<arbitrary>], iteration_bounds = array<i64: 10>, scalar_prefetch = 0 : i64, scratch_operands = 0 : i64, tpu.core_type = #tpu.core_type<tc>, window_params = [{transform_indices = @transform_0, window_bounds = array<i64: 1000, 128>}, {transform_indices = @transform_1, window_bounds = array<i64: 1000, 128>}, {transform_indices = @transform_2, window_bounds = array<i64: 1000, 128>}, {pipeline_mode = #tpu.pipeline_mode<synchronous>, transform_indices = @transform_3, window_bounds = array<i64: 1, 128>}, {transform_indices = @transform_4, window_bounds = array<i64: 1000, 128>}]} {
    %get3A = arith.constant 0 : index
    %get3A_0 = arith.constant 0 : index
    %get3A_1 = vector.load %arg1[%get3A, %get3A_0] : memref<1000x128xf32, #tpu.memory_space<vmem>>, vector<1000x128xf32>
    %get3A_2 = arith.constant 0 : index
    %get3A_3 = arith.constant 0 : index
    %get3A_4 = vector.load %arg2[%get3A_2, %get3A_3] : memref<1000x128xf32, #tpu.memory_space<vmem>>, vector<1000x128xf32>
    %add3A = arith.addf %get3A_1, %get3A_4 : vector<1000x128xf32>
    %get3A_5 = arith.constant 0 : index
    %get3A_6 = arith.constant 0 : index
    %get3A_7 = vector.load %arg3[%get3A_5, %get3A_6] : memref<1000x128xf32, #tpu.memory_space<vmem>>, vector<1000x128xf32>
    %add3A_8 = arith.addf %add3A, %get3A_7 : vector<1000x128xf32>
    %get3A_9 = arith.constant 0 : index
    %get3A_10 = arith.constant 0 : index
    %get3A_11 = vector.load %arg4[%get3A_9, %get3A_10] : memref<1x128xf32, #tpu.memory_space<vmem>>, vector<1x128xf32>
    %add3A_12 = vector.broadcast %get3A_11 : vector<1x128xf32> to vector<1000x128xf32>
    %add3A_13 = arith.addf %add3A_8, %add3A_12 : vector<1000x128xf32>
    %swap3A = arith.constant 0 : index
    %swap3A_14 = arith.constant 0 : index
    %swap3A_15 = vector.load %arg5[%swap3A, %swap3A_14] : memref<1000x128xf32, #tpu.memory_space<vmem>>, vector<1000x128xf32>
    tpu.vector_store %arg5[%swap3A, %swap3A_14], %add3A_13 {strides = array<i32>} : memref<1000x128xf32, #tpu.memory_space<vmem>>, vector<1000x128xf32>,
    return
  }
  func.func @transform_0(%arg0: i32) -> (i32, i32) {
    %c0_i32 = arith.constant 0 : i32
    %c0_i32_0 = arith.constant 0 : i32
    return %arg0, %c0_i32 : i32, i32
  }
  func.func @transform_1(%arg0: i32) -> (i32, i32) {
    %add3A = arith.constant 10 : i32
    %add3A_0 = arith.addi %arg0, %add3A : i32
    %c0_i32 = arith.constant 0 : i32
    %c0_i32_1 = arith.constant 0 : i32
    return %add3A_0, %c0_i32 : i32, i32
  }
  func.func @transform_2(%arg0: i32) -> (i32, i32) {
    %c0_i32 = arith.constant 0 : i32
    %c0_i32_0 = arith.constant 0 : i32
    return %arg0, %c0_i32 : i32, i32
  }
  func.func @transform_3(%arg0: i32) -> (i32, i32) {
    %c0_i32 = arith.constant 0 : i32
    %c0_i32_0 = arith.constant 0 : i32
    %c0_i32_1 = arith.constant 0 : i32
    return %c0_i32, %c0_i32_0 : i32, i32
  }
  func.func @transform_4(%arg0: i32) -> (i32, i32) {
    %c0_i32 = arith.constant 0 : i32
    %c0_i32_0 = arith.constant 0 : i32
    return %arg0, %c0_i32 : i32, i32
  }
}

</mosaic_0001>

<sc_bundles>
// kernel: kernel.10.cloned.1.call-start
scs
__scs_entry_jumppad:
0x0: {  	(pc) =	sbr.rel $0x88, $3  }
0x1: {  	(tag) =	ssettag $0x0;
	lr =	simm.s32 $0x1  }
0x2: {  	[smem:$0x3F99] =	sst lr;
	_ =	strace $0xD0000000  }
0x3: {  	_ = 	snop  }
0x4: {  	_ = 	snop  }
0x5: {  	_ = 	snop  }
0x6: {  	_ = 	snop  }
0x7: {  	_ = 	snop  }
__scs_overlays_trampoline_lowered:
0x8: {  	[smem:$0x3FA8] =	sst s0  }
0x9: {  	[smem:$0x3FA9] =	sst s1  }
0xa: {  	[smem:$0x3FAA] =	sst s2  }
0xb: {  	[smem:$0x3FAB] =	sst s3  }
0xc: {  	[smem:$0x3FAC] =	sst s4  }
0xd: {  	[smem:$0x3FAD] =	sst s5  }
0xe: {  	[smem:$0x3FAE] =	sst s6  }
0xf: {  	[smem:$0x3FAF] =	sst s7  }
0x10: {  	[smem:$0x3FB0] =	sst s8  }
0x11: {  	[smem:$0x3FB1] =	sst s9;
	s0 =	simm.s32 @!p0 $0x0  }
0x12: {  	s1 =	sld [smem:$0x3F97];
	s0 =	simm.s32 @p0 $0x1  }
0x13: {  	[smem:$0x3FB2] =	sst s0;
	s0 =	simm.s32 @!p1 $0x0  }
0x14: {  	s2 =	sld [smem:$0x3F96];
	s0 =	simm.s32 @p1 $0x1  }
0x15: {  	[smem:$0x3FB3] =	sst s0;
	s0 =	simm.s32 @!p2 $0x0  }
0x16: {  	s3 =	sld [smem:$0x3FDB];
	s0 =	simm.s32 @p2 $0x1  }
0x17: {  	s4 =	simm.s32 $0x1BF5;
	[smem:$0x3FB5] =	sst s0  }
0x18: {  	s0 =	sld [smem:$0x3F98];
	_ =	swait.ge [sflag:s4], $0x0  }
0x19: {  	s7 =	sld [smem:$0x3F99]  }
0x1a: {  	s8 =	sadd.s32 $0xFFFFE003, lr  }
0x1b: {  	s9 =	sadd.s32 $0xFFFFFEF7, lr;
	s5 =	simm.s32 $0xFFFFFFFF;
	p2 =	slt.u32 s8, $0xFFFFF086  }
0x1c: {  	p1 =	slt.u32 s9, $0xF7A;
	s5 =	simm.s32 @!p2 $0x0  }
0x1d: {  	s5 =	simm.s32 @p1 $0x1;
	p0 =	seq.s32 s7, s2  }
0x1e: {  	s7 =	smul.u32 @!p0 $0xF7A, s2;
	p2 =	seq.s32 @!p0 s5, $0x0  }
0x1f: {  	s9 =	smul.u32 $0xF7A, s1;
	s8 =	simm.s32 @!p0 $0x1BF5;
	p2 =	por !p2, p0  }
0x20: {  	[sflag:s8] =	ssyncset.s32 @!p0 $0xFFFFF086;
	s6 =	sadd.s32 @!p0 s3, s7;
	s7 =	simm.s32 @!p0 $0x108  }
0x21: {  	s3 =	sadd.s32 s3, s9;
	s6 =	sadd.s32 @!p0 $0x88, s6;
	s7 =	simm.s32 @p2 $0x1082  }
0x22: {  	[simem:s7], [sflag:s8] =	dma.local @!p0 [hbm:s6], $0xF7A  }
0x23: {  	s9 =	sor.u32 $0xD0000000, s2;
	s6 =	simm.s32 $0x108;
	_ =	swait.ge @!p0 [sflag:s8], $0x0  }
0x24: {  	s3 =	sadd.s32 $0x88, s3;
	s6 =	simm.s32 @!p1 $0x1082;
	[sflag:s4] =	ssyncset.s32 $0xFFFFF086  }
0x25: {  	[simem:s6], [sflag:s4] =	dma.local [hbm:s3], $0xF7A  }
0x26: {  	[smem:$0x3F99] =	sst s1;
	(tag) =	ssettag s2;
	_ =	strace s9  }
0x27: {  	s1 =	sld [smem:$0x3FA9]  }
0x28: {  	s2 =	sld [smem:$0x3FAA]  }
0x29: {  	s4 =	sld [smem:$0x3FAC]  }
0x2a: {  	p0 =	seq.s32 s5, $0x0;
	s5 =	sld [smem:$0x3FAD]  }
0x2b: {  	s6 =	sld [smem:$0x3FAE]  }
0x2c: {  	s7 =	sld [smem:$0x3FAF]  }
0x2d: {  	s3 =	simm.s32 $0x108;
	s8 =	sld [smem:$0x3FB0]  }
0x2e: {  	s3 =	simm.s32 @!p0 $0x1082;
	s9 =	sld [smem:$0x3FB1]  }
0x2f: {  	lr =	sadd.s32 s0, s3;
	s0 =	sld [smem:$0x3FA8]  }
0x30: {  	s3 =	sld [smem:$0x3FAB]  }
0x31: {  	[smem:$0x3FB4] =	sst s10  }
0x32: {  	s10 =	sld [smem:$0x3FB2];
	_ =	sdelay $0x3  }
0x33: {  	p0 =	seq.s32 s10, $0x1;
	s10 =	sld [smem:$0x3FB4];
	_ =	sdelay $0x3  }
0x34: {  	[smem:$0x3FB4] =	sst s10  }
0x35: {  	s10 =	sld [smem:$0x3FB3];
	_ =	sdelay $0x3  }
0x36: {  	p1 =	seq.s32 s10, $0x1;
	s10 =	sld [smem:$0x3FB4];
	_ =	sdelay $0x3  }
0x37: {  	[smem:$0x3FB4] =	sst s10  }
0x38: {  	s10 =	sld [smem:$0x3FB5]  }
0x39: {  	_ = 	snop;
	(pc) =	sbr.ind lr, $3  }
0x3a: {  	_ = 	snop  }
0x3b: {  	_ = 	snop  }
0x3c: {  	p2 =	seq.s32 s10, $0x1;
	s10 =	sld [smem:$0x3FB4]  }
0x3d: {  	_ =	shalt  }
0x3e: {  	_ =	shalt  }
0x3f: {  	_ =	shalt  }
0x40: {  	_ =	shalt  }
0x41: {  	_ =	shalt  }
0x42: {  	_ =	shalt  }
0x43: {  	_ =	shalt  }
0x44: {  	_ =	shalt  }
0x45: {  	_ =	shalt  }
0x46: {  	_ =	shalt  }
0x47: {  	_ =	shalt  }
0x48: {  	_ =	shalt  }
0x49: {  	_ =	shalt  }
0x4a: {  	_ =	shalt  }
0x4b: {  	_ =	shalt  }
0x4c: {  	_ =	shalt  }
0x4d: {  	_ =	shalt  }
0x4e: {  	_ =	shalt  }
0x4f: {  	_ =	shalt  }
0x50: {  	_ =	shalt  }
0x51: {  	_ =	shalt  }
0x52: {  	_ =	shalt  }
0x53: {  	_ =	shalt  }
0x54: {  	_ =	shalt  }
0x55: {  	_ =	shalt  }
0x56: {  	_ =	shalt  }
0x57: {  	_ =	shalt  }
0x58: {  	_ =	shalt  }
0x59: {  	_ =	shalt  }
0x5a: {  	_ =	shalt  }
0x5b: {  	_ =	shalt  }
0x5c: {  	_ =	shalt  }
0x5d: {  	_ =	shalt  }
0x5e: {  	_ =	shalt  }
0x5f: {  	_ =	shalt  }
0x60: {  	_ =	shalt  }
0x61: {  	_ =	shalt  }
0x62: {  	_ =	shalt  }
0x63: {  	_ =	shalt  }
0x64: {  	_ =	shalt  }
0x65: {  	_ =	shalt  }
0x66: {  	_ =	shalt  }
0x67: {  	_ =	shalt  }
0x68: {  	_ =	shalt  }
0x69: {  	_ =	shalt  }
0x6a: {  	_ =	shalt  }
0x6b: {  	_ =	shalt  }
0x6c: {  	_ =	shalt  }
0x6d: {  	_ =	shalt  }
0x6e: {  	_ =	shalt  }
0x6f: {  	_ =	shalt  }
0x70: {  	_ =	shalt  }
0x71: {  	_ =	shalt  }
0x72: {  	_ =	shalt  }
0x73: {  	_ =	shalt  }
0x74: {  	_ =	shalt  }
0x75: {  	_ =	shalt  }
0x76: {  	_ =	shalt  }
0x77: {  	_ =	shalt  }
0x78: {  	_ =	shalt  }
0x79: {  	_ =	shalt  }
0x7a: {  	_ =	shalt  }
0x7b: {  	_ =	shalt  }
0x7c: {  	_ =	shalt  }
0x7d: {  	_ =	shalt  }
0x7e: {  	_ =	shalt  }
0x7f: {  	_ =	shalt  }
0x80: {  	_ =	shalt  }
0x81: {  	_ =	shalt  }
0x82: {  	_ =	shalt  }
0x83: {  	_ =	shalt  }
0x84: {  	_ =	shalt  }
0x85: {  	_ =	shalt  }
0x86: {  	_ =	shalt  }
0x87: {  	_ =	shalt  }
.Lfunc_end0:
.L_simem_size_0:
called_computation.1_lowered:
.L_overlay_start_0:
0x88: {  	s2 =	sld [smem:$0x3FD9]  }
0x89: {  	s3 =	sld [smem:$0x3FFE];
	_ =	sdelay $0x1  }
0x8a: {  	s1 =	srdreg.scid  }
0x8b: {  	s0 =	sand.u32 $0x1, s1  }
0x8c: {  	s17 =	sshll.u32 s0, $0xA;
	s2 =	sadd.s32 s3, s2  }
0x8d: {  	s2 =	sadd.s32 s2, s17  }
0x8e: {  	[smem:$0x3FC0] =	sst s2  }
0x8f: {  	_ = 	snop  }
0x90: {  	s2 =	sld [smem:$0x3FD0];
	(tm) =	ssettm $0x1  }
0x91: {  	s18 =	sld [smem:$0x3FFB];
	_ =	sdelay $0x3  }
0x92: {  	_ =	strace s18  }
0x93: {  	s3 =	sld [smem:$0x3FFC];
	_ =	sdelay $0x3  }
0x94: {  	_ =	strace s3  }
0x95: {  	s3 =	sld [smem:$0x3FFD];
	_ =	sdelay $0x3  }
0x96: {  	_ =	strace s3  }
0x97: {  	_ =	strace $0x8FFFFFFF  }
0x98: {  	s19 =	sld [smem:$0x3FDB];
	_ =	sdelay $0x1  }
0x99: {  	s4 =	simm.s32 $_scs_section_size  }
0x9a: {  	s5 =	simm.s32 $_size__tile_overlayer_lowered;
	s6 =	simm.s32 $_tile_overlayer_lowered  }
0x9b: {  	s22 =	simm.s32 $0x1BFF;
	s21 =	sshll.u32 s6, $0x1;
	s3 =	sadd.s32 s4, s19  }
0x9c: {  	s7 =	simm.s32 $0x0;
	s20 =	sshll.u32 s5, $0x1;
	s5 =	sadd.s32 s21, s3  }
0x9d: {  	[timem:s7], [sflag:s22] =	dma.local [hbm:s5], s20  }
0x9e: {  	_ =	swait.ge [sflag:s22], s20  }
0x9f: {  	s4 =	ssub.s32 $0x0, s20;
	[sflag:s22] =	ssyncset.done $0x0  }
0xa0: {  	[sflag:s22] =	ssyncadd.s32 s4;
	_ =	sdelay $0x1  }
0xa1: {  	s23 =	simm.s32 $0x1B8B  }
0xa2: {  	_ =	swait.ge [sflag:s23], $0x1  }
0xa3: {  	[sflag:s23] =	ssyncset.done $0x0  }
0xa4: {  	s25 =	simm.s32 $0x1B8E;
	s24 =	sld [smem:$0x3FFE];
	[sflag:s23] =	ssyncadd.s32 $0xFFFFFFFF  }
0xa5: {  	s26 =	simm.s32 $execute0_lowered;
	[smem:$0x3FD2] =	sst s25  }
0xa6: {  	s5 =	sshll.u32 s26, $0x1;
	_ =	strace $0x80000049;
	[dreg:$0x1] =	wrdreg $0xFFFFFFFF  }
0xa7: {  	s28 =	simm.s32 $_size_execute0_lowered;
	s3 =	sadd.s32 s3, s5;
	[dreg:$0x0] =	wrdreg $0x0  }
0xa8: {  	s5 =	sshll.u32 s28, $0x1;
	[dreg:$0x2] =	wrdreg s3  }
0xa9: {  	[dreg:$0x3] =	wrdreg s5  }
0xaa: {  	[dreg:$0x4] =	wrdreg $0xC0  }
0xab: {  	_ =	task [dreg:s7], $0x5FFFF  }
0xac: {  	[dreg:$0x1] =	wrdreg $0xFFFFFFFF  }
0xad: {  	[dreg:$0x0] =	wrdreg $0x60  }
0xae: {  	[dreg:$0x2] =	wrdreg s2  }
0xaf: {  	[dreg:$0x3] =	wrdreg s24  }
0xb0: {  	[dreg:$0x4] =	wrdreg $0x98000  }
0xb1: {  	[dreg:$0x5] =	wrdreg $0x9  }
0xb2: {  	_ =	task.clear_ibuf [dreg:s7], $0x6FFFF;
	_ =	strace $0x90000049  }
0xb3: {  	s29 =	simm.s32 $0x9;
	_ =	strace $0x8000004B  }
0xb4: {  	_ =	swait.ge [sflag:s29], $0x1  }
0xb5: {  	[sflag:s29] =	ssyncadd.s32 $0xFFFFFFFF  }
0xb6: {  	_ =	strace $0x9000004B  }
0xb7: {  	_ =	sfence  }
0xb8: {  	s30 =	sld [smem:$0x0];
	_ =	sdelay $0x2  }
0xb9: {  	s31 =	sshll.u32 s1, $0xD;
	s1 =	sshrl.u32 s1, $0x2  }
0xba: {  	s3 =	sand.u32 $0x4000, s31;
	s1 =	sadd.s32 s1, s30  }
0xbb: {  	s0 =	sor.u32 s3, s0;
	s1 =	sshll.u32 s1, $0x11  }
0xbc: {  	s0 =	sor.u32 s1, s0  }
0xbd: {  	s0 =	sadd.s32 $0x8F2B, s0  }
0xbe: {  	[sflag:s0] =	ssyncadd.remote.s32 $0x1  }
0xbf: {  	_ =	sfence.sel $0xFFFF  }
0xc0: {  	[dreg:$0x0] =	wrdreg $0xFFFFFFFF;
	(pc) =	sbr.abs _section_cstart, $3  }
0xc1: {  	[dreg:$0x1] =	wrdreg $0xFFFFFFFF  }
0xc2: {  	_ =	task.clear_ibuf [dreg:s7], $0x2FFFF;
	_ =	strace $0x9FFFFFFF  }
0xc3: {  	(tm) =	ssettm $0x7FFFFFFF  }
tec
execute0_lowered:
.L_overlay_start_1:
0x0: {  	(tag) =	ssettag $0x1  }
0x1: {  	s1 =	rddreg [dreg:$0x0]  }
0x2: {  	s8 =	rddreg [dreg:$0x1]  }
0x3: {  	s2 =	rddreg [dreg:$0x2];
	s3 =	simm.s32 $0x0;
	s6 =	srdreg.scid  }
0x4: {  	s0 =	stileid.u32;
	s18 =	simm.s32 $0x2000;
	s19 =	simm.s32 $0x80  }
0x5: {  	s20 =	simm.s32 $0x4800;
	s21 =	simm.s32 $0x100;
	s22 =	simm.s32 $0x7000  }
0x6: {  	s23 =	simm.s32 $0x1;
	[smem:$0x7FF] =	sst s3;
	s5 =	sadd.s32 $0x15C00, s8  }
0x7: {  	s9 =	sand.u32 $0x1, s6;
	s6 =	sadd.s32 $0x1C00, s8;
	s11 =	smul.u32 $0x50000, s0  }
0x8: {  	s7 =	sadd.s32 $0x29C00, s8;
	s14 =	sadd.s32 $0x2C400, s8;
	s28 =	smul.u32 $0x2800, s0  }
0x9: {  	s29 =	sshll.u32 s0, $0x1;
	s17 =	sadd.s32 $0x12C000, s2;
	p0 =	seq.s32 s0, $0xF  }
0xa: {  	_ =	strace $0x8000004A;
	s10 =	ssub.s32 $0x2, s9;
	s13 =	smul.u32 $0x27100, s9  }
0xb: {  	s15 =	smul.u32 $0x138800, s9;
	s8 =	sor.u32 s9, s29;
	s12 =	sshrl.u32 s10, $0x1  }
0xc: {  	s11 =	sshrl.u32 s11, $0x2;
	s8 =	smul.u32 $0x5000, s8;
	s12 =	ssub.s32 s10, s12  }
0xd: {  	s16 =	sadd.s32 s11, s2;
	s30 =	sadd.s32 s28, s13;
	s31 =	sshrl.u32 s15, $0x3  }
0xe: {  	s13 =	sshll.u32 @!p0 s0, $0x6;
	s15 =	simm.s32 $0x4;
	s4 =	sadd.s32 s14, s30  }
0xf: {  	s10 =	sadd.s32 s14, s31;
	s11 =	smax.u32 s12, $0x1;
	s12 =	sshrl.u32 @p0 s17, $0x3  }
0x10: {  	s13 =	sor.u32 @!p0 $0x1C04, s13;
	s14 =	sshrl.u32 @!p0 s16, $0x3;
	s16 =	simm.s32 $0x1000  }
0x11: {  	s17 =	simm.s32 $0x50;
	[dreg:$0x4] =	wrdreg s4;
	s10 =	sadd.s32 $0x25800, s10  }
.LBB2_1:
0x12: {  	s24 =	simm.s32 @p0 $0x1FC4  }
0x13: {  	[spmem:s12], [sflag:s24] =	dma.local @p0 [hbm:s7], $0x1980  }
0x14: {  	s24 =	simm.s32 @p0 $0x4  }
0x15: {  	_ =	swait.ge @p0 [sflag:s24], $0x1980  }
0x16: {  	[sflag:s24] =	ssyncset.done @p0 $0x0  }
0x17: {  	[sflag:s24] =	ssyncadd.s32 @p0 $0xFFFFE680;
	s24 =	simm.s32 @!p0 $0x4  }
0x18: {  	[spmem:s14], [sflag:s13] =	dma.local @!p0 [hbm:s7], $0x2800  }
0x19: {  	_ =	swait.ge @!p0 [sflag:s24], $0x2800  }
0x1a: {  	[sflag:s24] =	ssyncset.done @!p0 $0x0  }
0x1b: {  	[sflag:s24] =	ssyncadd.s32 @!p0 $0xFFFFD800  }
0x1c: {  	s24 =	simm.s32 $0x0;
	[bflag:$0x0] =	sbarrier.arrive $0xFFFF  }
.LBB2_2:
0x1d: {  	s25 =	sshll.u32 s24, $0xC  }
0x1e: {  	s25 =	sadd.s32 s8, s25  }
0x1f: {  	s26 =	sshrl.u32 s25, $0x3  }
0x20: {  	s25 =	simm.s32 $0x0;
	s28 =	sadd.s32 s5, s26  }
0x21: {  	[tilespmem:s25], [sflag:$0x4] =	stream.linear.gather [hbm4b:s28+s25], $0xC80, $0x38;
	[tilespmem:$0x1D0C0] =	vst v63  }
0x22: {  	_ =	swait.ge [sflag:s15], $0xC80  }
0x23: {  	[sflag:s15] =	ssyncset.done $0x0  }
0x24: {  	s26 =	sadd.s32 s6, s26;
	[sflag:s15] =	ssyncadd.s32 $0xFFFFF380  }
0x25: {  	[tilespmem:s16], [sflag:$0x4] =	stream.linear.gather [hbm4b:s26+s25], $0xC80, $0x38;
	[tilespmem:$0x1D0C0] =	vst v63  }
0x26: {  	_ =	swait.ge [sflag:s15], $0xC80  }
0x27: {  	[sflag:s15] =	ssyncset.done $0x0  }
0x28: {  	[sflag:s15] =	ssyncadd.s32 $0xFFFFF380  }
0x29: {  	[tilespmem:s18], [sflag:$0x1] =	stream.indirect.gather [hbm4b:s1+s17], $0x80, s25, s17, $0xb8;
	[tilespmem:$0x1D0C0] =	vst v63  }
0x2a: {  	_ = 	snop  }
0x2b: {  	[tilespmem:s20], [sflag:$0x2] =	stream.indirect.gather [hbm4b:s1+s17], $0x80, s19, s17, $0xb8;
	[tilespmem:$0x1D0C0] =	vst v63  }
0x2c: {  	s26 =	simm.s32 $0x0  }
0x2d: {  	[tilespmem:s22], [sflag:$0x3] =	stream.indirect.gather [hbm4b:s1+s17], $0x80, s21, s17, $0xb8;
	[tilespmem:$0x1D0C0] =	vst v63  }
.LBB2_3:
0x2e: {  	s28 =	sshra.s32 s25, $0x2  }
0x2f: {  	v0 =	vld [tilespmem:s28+$0x0]  }
0x30: {  	v1 =	vld [tilespmem:s28+$0x1000]  }
0x31: {  	v2 =	vld [tilespmem:s28+$0x10]  }
0x32: {  	v3 =	vld [tilespmem:s28+$0x1010]  }
0x33: {  	v4 =	vld [tilespmem:s28+$0x20]  }
0x34: {  	v5 =	vld [tilespmem:s28+$0x1020]  }
0x35: {  	v6 =	vld [tilespmem:s28+$0x30]  }
0x36: {  	v7 =	vld [tilespmem:s28+$0x1030]  }
0x37: {  	v8 =	vld [tilespmem:s28+$0x40]  }
0x38: {  	v9 =	vld [tilespmem:s28+$0x1040]  }
0x39: {  	vm0 =	veq.s32 v0, v1  }
0x3a: {  	vm12 =	veq.s32 v2, v3;
	v0 =	vsel vm0, $0x2710, v1  }
0x3b: {  	vm13 =	veq.s32 v4, v5;
	v60 =	vsel vm12, $0x2710, v3;
	[tilespmem:s28+$0x1000] =	vst v0  }
0x3c: {  	vm14 =	veq.s32 v6, v7;
	v61 =	vsel vm13, $0x2710, v5;
	[tilespmem:s28+$0x1010] =	vst v60  }
0x3d: {  	vm15 =	veq.s32 v8, v9;
	v62 =	vsel vm14, $0x2710, v7;
	[tilespmem:s28+$0x1020] =	vst v61  }
0x3e: {  	v63 =	vsel vm15, $0x2710, v9;
	[tilespmem:s28+$0x1030] =	vst v62  }
0x3f: {  	[tilespmem:s28+$0x1040] =	vst v63  }
0x40: {  	_ =	swait.ge [sflag:s23], $0x2800  }
0x41: {  	[sflag:s23] =	ssyncset.done $0x0  }
0x42: {  	s28 =	sadd.s32 $0x1000, s28;
	[sflag:s23] =	ssyncadd.s32 $0xFFFFD800  }
0x43: {  	[spmem:s2] =	stream.indirect.scatter.add.f32 [tilespmem:s18], [sflag:$0x4], $0x80, s28, s17, $0xb8;
	[tilespmem:$0x1D0C0] =	vst v63  }
0x44: {  	p1 =	seq.s32 s25, $0x3000;
	_ =	swait.ge [sflag:s15], $0x2800  }
0x45: {  	s29 =	sshra.s32 @!p1 s25, $0x2;
	s31 =	simm.s32 @!p1 $0x2000;
	[sflag:s15] =	ssyncset.done $0x0  }
0x46: {  	s30 =	sadd.s32 @!p1 $0x180, s29;
	s28 =	simm.s32 @!p1 $0x50;
	[sflag:s15] =	ssyncadd.s32 $0xFFFFD800  }
0x47: {  	[tilespmem:s31], [sflag:$0x1] =	stream.indirect.gather @!p1 [hbm4b:s1+s28], $0x80, s30, s28, $0xb8;
	[tilespmem:$0x1D0C0] =	vst v63  }
0x48: {  	v0 =	vld @!p1 [tilespmem:s29+$0x80]  }
0x49: {  	v1 =	vld @!p1 [tilespmem:s29+$0x1080]  }
0x4a: {  	v2 =	vld @!p1 [tilespmem:s29+$0x90]  }
0x4b: {  	v3 =	vld @!p1 [tilespmem:s29+$0x1090]  }
0x4c: {  	v4 =	vld @!p1 [tilespmem:s29+$0xA0]  }
0x4d: {  	v5 =	vld @!p1 [tilespmem:s29+$0x10A0]  }
0x4e: {  	v6 =	vld @!p1 [tilespmem:s29+$0xB0]  }
0x4f: {  	v7 =	vld @!p1 [tilespmem:s29+$0x10B0]  }
0x50: {  	v8 =	vld @!p1 [tilespmem:s29+$0xC0]  }
0x51: {  	v9 =	vld @!p1 [tilespmem:s29+$0x10C0]  }
0x52: {  	vm0 =	veq.s32 @!p1 v0, v1  }
0x53: {  	v0 =	vsel @!p1 vm0, $0x2710, v1;
	vm0 =	veq.s32 @!p1 v2, v3  }
0x54: {  	[tilespmem:s29+$0x1080] =	vst @!p1 v0;
	v0 =	vsel @!p1 vm0, $0x2710, v3;
	vm0 =	veq.s32 @!p1 v4, v5  }
0x55: {  	[tilespmem:s29+$0x1090] =	vst @!p1 v0;
	v0 =	vsel @!p1 vm0, $0x2710, v5;
	vm0 =	veq.s32 @!p1 v6, v7  }
0x56: {  	[tilespmem:s29+$0x10A0] =	vst @!p1 v0;
	v0 =	vsel @!p1 vm0, $0x2710, v7;
	vm0 =	veq.s32 @!p1 v8, v9  }
0x57: {  	[tilespmem:s29+$0x10B0] =	vst @!p1 v0;
	v0 =	vsel @!p1 vm0, $0x2710, v9  }
0x58: {  	s30 =	simm.s32 @!p1 $0x2;
	[tilespmem:s29+$0x10C0] =	vst @!p1 v0  }
0x59: {  	_ =	swait.ge @!p1 [sflag:s30], $0x2800  }
0x5a: {  	[sflag:s30] =	ssyncset.done @!p1 $0x0  }
0x5b: {  	s31 =	sadd.s32 @!p1 $0x1080, s29;
	[sflag:s30] =	ssyncadd.s32 @!p1 $0xFFFFD800;
	s30 =	simm.s32 @!p1 $0x4800  }
0x5c: {  	[spmem:s2] =	stream.indirect.scatter.add.f32 @!p1 [tilespmem:s30], [sflag:$0x4], $0x80, s31, s28, $0xb8;
	[tilespmem:$0x1D0C0] =	vst v63  }
0x5d: {  	p2 =	sgt.u32 @!p1 s26, $0x6;
	s30 =	simm.s32 @!p1 $0x4  }
0x5e: {  	p2 =	por p2, p1;
	_ =	swait.ge @!p1 [sflag:s30], $0x2800  }
0x5f: {  	s4 =	simm.s32 @!p2 $0x50;
	s31 =	sshra.s32 @!p2 s25, $0x2;
	[sflag:s30] =	ssyncset.done @!p1 $0x0  }
0x60: {  	s9 =	simm.s32 @!p2 $0x4800;
	s0 =	sadd.s32 @!p2 $0x200, s31;
	[sflag:s30] =	ssyncadd.s32 @!p1 $0xFFFFD800  }
0x61: {  	[tilespmem:s9], [sflag:$0x2] =	stream.indirect.gather @!p2 [hbm4b:s1+s4], $0x80, s0, s4, $0xb8;
	[tilespmem:$0x1D0C0] =	vst v63  }
0x62: {  	v0 =	vld @!p1 [tilespmem:s29+$0x100]  }
0x63: {  	v1 =	vld @!p1 [tilespmem:s29+$0x1100]  }
0x64: {  	v2 =	vld @!p1 [tilespmem:s29+$0x110]  }
0x65: {  	v3 =	vld @!p1 [tilespmem:s29+$0x1110]  }
0x66: {  	v4 =	vld @!p1 [tilespmem:s29+$0x120]  }
0x67: {  	v5 =	vld @!p1 [tilespmem:s29+$0x1120]  }
0x68: {  	v6 =	vld @!p1 [tilespmem:s29+$0x130]  }
0x69: {  	v7 =	vld @!p1 [tilespmem:s29+$0x1130]  }
0x6a: {  	v8 =	vld @!p1 [tilespmem:s29+$0x140]  }
0x6b: {  	v9 =	vld @!p1 [tilespmem:s29+$0x1140]  }
0x6c: {  	vm0 =	veq.s32 @!p1 v0, v1  }
0x6d: {  	v0 =	vsel @!p1 vm0, $0x2710, v1;
	vm0 =	veq.s32 @!p1 v2, v3  }
0x6e: {  	[tilespmem:s29+$0x1100] =	vst @!p1 v0;
	v0 =	vsel @!p1 vm0, $0x2710, v3;
	vm0 =	veq.s32 @!p1 v4, v5  }
0x6f: {  	[tilespmem:s29+$0x1110] =	vst @!p1 v0;
	v0 =	vsel @!p1 vm0, $0x2710, v5;
	vm0 =	veq.s32 @!p1 v6, v7  }
0x70: {  	[tilespmem:s29+$0x1120] =	vst @!p1 v0;
	v0 =	vsel @!p1 vm0, $0x2710, v7;
	vm0 =	veq.s32 @!p1 v8, v9  }
0x71: {  	[tilespmem:s29+$0x1130] =	vst @!p1 v0;
	v0 =	vsel @!p1 vm0, $0x2710, v9  }
0x72: {  	s0 =	simm.s32 @!p1 $0x3;
	[tilespmem:s29+$0x1140] =	vst @!p1 v0  }
0x73: {  	_ =	swait.ge @!p1 [sflag:s0], $0x2800  }
0x74: {  	[sflag:s0] =	ssyncset.done @!p1 $0x0  }
0x75: {  	s9 =	sadd.s32 @!p1 $0x1100, s29;
	[sflag:s0] =	ssyncadd.s32 @!p1 $0xFFFFD800;
	s0 =	simm.s32 @!p1 $0x7000  }
0x76: {  	[spmem:s2] =	stream.indirect.scatter.add.f32 @!p1 [tilespmem:s0], [sflag:$0x4], $0x80, s9, s28, $0xb8;
	[tilespmem:$0x1D0C0] =	vst v63  }
0x77: {  	_ =	swait.ge @!p1 [sflag:s30], $0x2800  }
0x78: {  	s25 =	sadd.s32 @!p1 $0x600, s25;
	[sflag:s30] =	ssyncset.done @!p1 $0x0  }
0x79: {  	s0 =	sadd.s32 @!p2 $0x280, s31;
	s9 =	simm.s32 @!p2 $0x7000;
	[sflag:s30] =	ssyncadd.s32 @!p1 $0xFFFFD800  }
0x7a: {  	[tilespmem:s9], [sflag:$0x3] =	stream.indirect.gather @!p2 [hbm4b:s1+s4], $0x80, s0, s4, $0xb8;
	[tilespmem:$0x1D0C0] =	vst v63  }
0x7b: {  	p2 =	sne.s32 @!p1 s25, $0x3600  }
0x7c: {  	p2 =	por p1, !p2  }
.Ltmp0:
0x7d: {  	_ = 	snop;
	(pc) =	sbr.rel @!p2 .LBB2_3-.Ltmp0, $2  }
0x7e: {  	_ =	sdelay $0x2  }
0x7f: {  	s26 =	sadd.s32 @!p1 $0x1, s26  }
0x80: {  	s24 =	sadd.s32 $0x1, s24  }
0x81: {  	p1 =	sne.s32 s24, $0x5  }
.Ltmp1:
0x82: {  	_ = 	snop;
	(pc) =	sbr.rel @p1 .LBB2_2-.Ltmp1, $1  }
0x83: {  	_ =	sdelay $0x3  }
0x84: {  	[bflag:$0x0] =	sbarrier.arrive $0xFFFF;
	s0 =	simm.s32 @p0 $0x1FC4  }
0x85: {  	[hbm:s10], [sflag:s0] =	dma.local @p0 [spmem:s12], $0x1900  }
0x86: {  	s0 =	simm.s32 @p0 $0x4  }
0x87: {  	_ =	swait.ge @p0 [sflag:s0], $0x1900  }
0x88: {  	s3 =	sadd.s32 $0x1, s3;
	[sflag:s0] =	ssyncset.done @p0 $0x0  }
0x89: {  	p1 =	sne.s32 s3, s11;
	[sflag:s0] =	ssyncadd.s32 @p0 $0xFFFFE700;
	s0 =	rddreg [dreg:$0x4]  }
0x8a: {  	[hbm:s0], [sflag:s13] =	dma.local @!p0 [spmem:s14], $0x2800  }
.Ltmp2:
0x8b: {  	_ = 	snop;
	(pc) =	sbr.rel @p1 .LBB2_1-.Ltmp2, $4  }
0x8c: {  	s0 =	simm.s32 @!p0 $0x4  }
0x8d: {  	_ =	swait.ge @!p0 [sflag:s0], $0x2800  }
0x8e: {  	[sflag:s0] =	ssyncset.done @!p0 $0x0  }
0x8f: {  	[sflag:s0] =	ssyncadd.s32 @!p0 $0xFFFFD800  }
0x90: {  	_ =	sfence.sel $0x180000  }
0x91: {  	[bflag:$0x0] =	sbarrier.arrive $0xFFFF  }
0x92: {  	_ =	strace $0x9000004A  }
0x93: {  	s0 =	stileid.u32;
	[bflag:$0x2] =	sbarrier.arrive $0xFFFF  }
0x94: {  	p0 =	sne.s32 s0, $0x0;
	s0 =	rddreg [dreg:$0x3]  }
0x95: {  	s0 =	sadd.s32 @!p0 $0x100000, s0  }
0x96: {  	[sflag:s0] =	ssyncadd.tile.s32 @!p0 $0x1;
	_ =	shalt  }
.Lfunc_end2:
_tile_overlayer_lowered:
.L_overlay_start_2:
0x97: {  	(tag) =	ssettag $0x2  }
0x98: {  	s0 =	rddreg [dreg:$0x0];
	s2 =	stileid.u32  }
0x99: {  	s1 =	rddreg [dreg:$0x1];
	p0 =	sne.s32 s2, $0x0  }
0x9a: {  	s3 =	rddreg [dreg:$0x2];
	[bflag:$0x3] =	sbarrier.arrive $0xFFFF;
	s2 =	simm.s32 @!p0 $0x1C04  }
0x9b: {  	[timem:s3], [sflag:s2] =	dma.local @!p0 [hbm:s0], s1  }
0x9c: {  	s0 =	simm.s32 @!p0 $0x4  }
0x9d: {  	_ =	swait.ge @!p0 [sflag:s0], s1  }
0x9e: {  	s1 =	ssub.s32 @!p0 $0x0, s1;
	[sflag:s0] =	ssyncset.done @!p0 $0x0  }
0x9f: {  	[sflag:s0] =	ssyncadd.s32 @!p0 s1  }
0xa0: {  	[bflag:$0x3] =	sbarrier.arrive $0xFFFF  }
0xa1: {  	_ =	shalt  }

// kernel: kernel.7.cloned.1.call-start
scs
__scs_entry_jumppad:
0x0: {  	(pc) =	sbr.rel $0x88, $3  }
0x1: {  	(tag) =	ssettag $0x0;
	lr =	simm.s32 $0x1  }
0x2: {  	[smem:$0x3F99] =	sst lr;
	_ =	strace $0xD0000000  }
0x3: {  	_ = 	snop  }
0x4: {  	_ = 	snop  }
0x5: {  	_ = 	snop  }
0x6: {  	_ = 	snop  }
0x7: {  	_ = 	snop  }
__scs_overlays_trampoline_lowered:
0x8: {  	[smem:$0x3FA8] =	sst s0  }
0x9: {  	[smem:$0x3FA9] =	sst s1  }
0xa: {  	[smem:$0x3FAA] =	sst s2  }
0xb: {  	[smem:$0x3FAB] =	sst s3  }
0xc: {  	[smem:$0x3FAC] =	sst s4  }
0xd: {  	[smem:$0x3FAD] =	sst s5  }
0xe: {  	[smem:$0x3FAE] =	sst s6  }
0xf: {  	[smem:$0x3FAF] =	sst s7  }
0x10: {  	[smem:$0x3FB0] =	sst s8  }
0x11: {  	[smem:$0x3FB1] =	sst s9;
	s0 =	simm.s32 @!p0 $0x0  }
0x12: {  	s1 =	sld [smem:$0x3F97];
	s0 =	simm.s32 @p0 $0x1  }
0x13: {  	[smem:$0x3FB2] =	sst s0;
	s0 =	simm.s32 @!p1 $0x0  }
0x14: {  	s2 =	sld [smem:$0x3F96];
	s0 =	simm.s32 @p1 $0x1  }
0x15: {  	[smem:$0x3FB3] =	sst s0;
	s0 =	simm.s32 @!p2 $0x0  }
0x16: {  	s3 =	sld [smem:$0x3FDB];
	s0 =	simm.s32 @p2 $0x1  }
0x17: {  	s4 =	simm.s32 $0x1BF5;
	[smem:$0x3FB5] =	sst s0  }
0x18: {  	s0 =	sld [smem:$0x3F98];
	_ =	swait.ge [sflag:s4], $0x0  }
0x19: {  	s7 =	sld [smem:$0x3F99]  }
0x1a: {  	s8 =	sadd.s32 $0xFFFFE003, lr  }
0x1b: {  	s9 =	sadd.s32 $0xFFFFFEF7, lr;
	s5 =	simm.s32 $0xFFFFFFFF;
	p2 =	slt.u32 s8, $0xFFFFF086  }
0x1c: {  	p1 =	slt.u32 s9, $0xF7A;
	s5 =	simm.s32 @!p2 $0x0  }
0x1d: {  	s5 =	simm.s32 @p1 $0x1;
	p0 =	seq.s32 s7, s2  }
0x1e: {  	s7 =	smul.u32 @!p0 $0xF7A, s2;
	p2 =	seq.s32 @!p0 s5, $0x0  }
0x1f: {  	s9 =	smul.u32 $0xF7A, s1;
	s8 =	simm.s32 @!p0 $0x1BF5;
	p2 =	por !p2, p0  }
0x20: {  	[sflag:s8] =	ssyncset.s32 @!p0 $0xFFFFF086;
	s6 =	sadd.s32 @!p0 s3, s7;
	s7 =	simm.s32 @!p0 $0x108  }
0x21: {  	s3 =	sadd.s32 s3, s9;
	s6 =	sadd.s32 @!p0 $0x88, s6;
	s7 =	simm.s32 @p2 $0x1082  }
0x22: {  	[simem:s7], [sflag:s8] =	dma.local @!p0 [hbm:s6], $0xF7A  }
0x23: {  	s9 =	sor.u32 $0xD0000000, s2;
	s6 =	simm.s32 $0x108;
	_ =	swait.ge @!p0 [sflag:s8], $0x0  }
0x24: {  	s3 =	sadd.s32 $0x88, s3;
	s6 =	simm.s32 @!p1 $0x1082;
	[sflag:s4] =	ssyncset.s32 $0xFFFFF086  }
0x25: {  	[simem:s6], [sflag:s4] =	dma.local [hbm:s3], $0xF7A  }
0x26: {  	[smem:$0x3F99] =	sst s1;
	(tag) =	ssettag s2;
	_ =	strace s9  }
0x27: {  	s1 =	sld [smem:$0x3FA9]  }
0x28: {  	s2 =	sld [smem:$0x3FAA]  }
0x29: {  	s4 =	sld [smem:$0x3FAC]  }
0x2a: {  	p0 =	seq.s32 s5, $0x0;
	s5 =	sld [smem:$0x3FAD]  }
0x2b: {  	s6 =	sld [smem:$0x3FAE]  }
0x2c: {  	s7 =	sld [smem:$0x3FAF]  }
0x2d: {  	s3 =	simm.s32 $0x108;
	s8 =	sld [smem:$0x3FB0]  }
0x2e: {  	s3 =	simm.s32 @!p0 $0x1082;
	s9 =	sld [smem:$0x3FB1]  }
0x2f: {  	lr =	sadd.s32 s0, s3;
	s0 =	sld [smem:$0x3FA8]  }
0x30: {  	s3 =	sld [smem:$0x3FAB]  }
0x31: {  	[smem:$0x3FB4] =	sst s10  }
0x32: {  	s10 =	sld [smem:$0x3FB2];
	_ =	sdelay $0x3  }
0x33: {  	p0 =	seq.s32 s10, $0x1;
	s10 =	sld [smem:$0x3FB4];
	_ =	sdelay $0x3  }
0x34: {  	[smem:$0x3FB4] =	sst s10  }
0x35: {  	s10 =	sld [smem:$0x3FB3];
	_ =	sdelay $0x3  }
0x36: {  	p1 =	seq.s32 s10, $0x1;
	s10 =	sld [smem:$0x3FB4];
	_ =	sdelay $0x3  }
0x37: {  	[smem:$0x3FB4] =	sst s10  }
0x38: {  	s10 =	sld [smem:$0x3FB5]  }
0x39: {  	_ = 	snop;
	(pc) =	sbr.ind lr, $3  }
0x3a: {  	_ = 	snop  }
0x3b: {  	_ = 	snop  }
0x3c: {  	p2 =	seq.s32 s10, $0x1;
	s10 =	sld [smem:$0x3FB4]  }
0x3d: {  	_ =	shalt  }
0x3e: {  	_ =	shalt  }
0x3f: {  	_ =	shalt  }
0x40: {  	_ =	shalt  }
0x41: {  	_ =	shalt  }
0x42: {  	_ =	shalt  }
0x43: {  	_ =	shalt  }
0x44: {  	_ =	shalt  }
0x45: {  	_ =	shalt  }
0x46: {  	_ =	shalt  }
0x47: {  	_ =	shalt  }
0x48: {  	_ =	shalt  }
0x49: {  	_ =	shalt  }
0x4a: {  	_ =	shalt  }
0x4b: {  	_ =	shalt  }
0x4c: {  	_ =	shalt  }
0x4d: {  	_ =	shalt  }
0x4e: {  	_ =	shalt  }
0x4f: {  	_ =	shalt  }
0x50: {  	_ =	shalt  }
0x51: {  	_ =	shalt  }
0x52: {  	_ =	shalt  }
0x53: {  	_ =	shalt  }
0x54: {  	_ =	shalt  }
0x55: {  	_ =	shalt  }
0x56: {  	_ =	shalt  }
0x57: {  	_ =	shalt  }
0x58: {  	_ =	shalt  }
0x59: {  	_ =	shalt  }
0x5a: {  	_ =	shalt  }
0x5b: {  	_ =	shalt  }
0x5c: {  	_ =	shalt  }
0x5d: {  	_ =	shalt  }
0x5e: {  	_ =	shalt  }
0x5f: {  	_ =	shalt  }
0x60: {  	_ =	shalt  }
0x61: {  	_ =	shalt  }
0x62: {  	_ =	shalt  }
0x63: {  	_ =	shalt  }
0x64: {  	_ =	shalt  }
0x65: {  	_ =	shalt  }
0x66: {  	_ =	shalt  }
0x67: {  	_ =	shalt  }
0x68: {  	_ =	shalt  }
0x69: {  	_ =	shalt  }
0x6a: {  	_ =	shalt  }
0x6b: {  	_ =	shalt  }
0x6c: {  	_ =	shalt  }
0x6d: {  	_ =	shalt  }
0x6e: {  	_ =	shalt  }
0x6f: {  	_ =	shalt  }
0x70: {  	_ =	shalt  }
0x71: {  	_ =	shalt  }
0x72: {  	_ =	shalt  }
0x73: {  	_ =	shalt  }
0x74: {  	_ =	shalt  }
0x75: {  	_ =	shalt  }
0x76: {  	_ =	shalt  }
0x77: {  	_ =	shalt  }
0x78: {  	_ =	shalt  }
0x79: {  	_ =	shalt  }
0x7a: {  	_ =	shalt  }
0x7b: {  	_ =	shalt  }
0x7c: {  	_ =	shalt  }
0x7d: {  	_ =	shalt  }
0x7e: {  	_ =	shalt  }
0x7f: {  	_ =	shalt  }
0x80: {  	_ =	shalt  }
0x81: {  	_ =	shalt  }
0x82: {  	_ =	shalt  }
0x83: {  	_ =	shalt  }
0x84: {  	_ =	shalt  }
0x85: {  	_ =	shalt  }
0x86: {  	_ =	shalt  }
0x87: {  	_ =	shalt  }
.Lfunc_end0:
.L_simem_size_0:
called_computation_lowered:
.L_overlay_start_0:
0x88: {  	s2 =	sld [smem:$0x3FD9]  }
0x89: {  	s3 =	sld [smem:$0x3FFE];
	_ =	sdelay $0x1  }
0x8a: {  	s1 =	srdreg.scid  }
0x8b: {  	s0 =	sand.u32 $0x1, s1  }
0x8c: {  	s17 =	sshll.u32 s0, $0xA;
	s2 =	sadd.s32 s3, s2  }
0x8d: {  	s2 =	sadd.s32 s2, s17  }
0x8e: {  	[smem:$0x3FC0] =	sst s2  }
0x8f: {  	_ = 	snop  }
0x90: {  	s2 =	sld [smem:$0x3FD0];
	(tm) =	ssettm $0x1  }
0x91: {  	s18 =	sld [smem:$0x3FFB];
	_ =	sdelay $0x3  }
0x92: {  	_ =	strace s18  }
0x93: {  	s3 =	sld [smem:$0x3FFC];
	_ =	sdelay $0x3  }
0x94: {  	_ =	strace s3  }
0x95: {  	s3 =	sld [smem:$0x3FFD];
	_ =	sdelay $0x3  }
0x96: {  	_ =	strace s3  }
0x97: {  	_ =	strace $0x8FFFFFFF  }
0x98: {  	s19 =	sld [smem:$0x3FDB];
	_ =	sdelay $0x1  }
0x99: {  	s4 =	simm.s32 $_scs_section_size  }
0x9a: {  	s5 =	simm.s32 $_size__tile_overlayer_lowered;
	s6 =	simm.s32 $_tile_overlayer_lowered  }
0x9b: {  	s22 =	simm.s32 $0x1BFF;
	s21 =	sshll.u32 s6, $0x1;
	s3 =	sadd.s32 s4, s19  }
0x9c: {  	s7 =	simm.s32 $0x0;
	s20 =	sshll.u32 s5, $0x1;
	s5 =	sadd.s32 s21, s3  }
0x9d: {  	[timem:s7], [sflag:s22] =	dma.local [hbm:s5], s20  }
0x9e: {  	_ =	swait.ge [sflag:s22], s20  }
0x9f: {  	s4 =	ssub.s32 $0x0, s20;
	[sflag:s22] =	ssyncset.done $0x0  }
0xa0: {  	[sflag:s22] =	ssyncadd.s32 s4;
	_ =	sdelay $0x1  }
0xa1: {  	s23 =	simm.s32 $0x1B8B  }
0xa2: {  	_ =	swait.ge [sflag:s23], $0x1  }
0xa3: {  	[sflag:s23] =	ssyncset.done $0x0  }
0xa4: {  	s25 =	simm.s32 $0x1B8E;
	s24 =	sld [smem:$0x3FFE];
	[sflag:s23] =	ssyncadd.s32 $0xFFFFFFFF  }
0xa5: {  	s26 =	simm.s32 $execute0_lowered;
	[smem:$0x3FD2] =	sst s25  }
0xa6: {  	s5 =	sshll.u32 s26, $0x1;
	_ =	strace $0x80000046;
	[dreg:$0x1] =	wrdreg $0xFFFFFFFF  }
0xa7: {  	s28 =	simm.s32 $_size_execute0_lowered;
	s3 =	sadd.s32 s3, s5;
	[dreg:$0x0] =	wrdreg $0x0  }
0xa8: {  	s5 =	sshll.u32 s28, $0x1;
	[dreg:$0x2] =	wrdreg s3  }
0xa9: {  	[dreg:$0x3] =	wrdreg s5  }
0xaa: {  	[dreg:$0x4] =	wrdreg $0xC0  }
0xab: {  	_ =	task [dreg:s7], $0x5FFFF  }
0xac: {  	[dreg:$0x1] =	wrdreg $0xFFFFFFFF  }
0xad: {  	[dreg:$0x0] =	wrdreg $0x60  }
0xae: {  	[dreg:$0x2] =	wrdreg s2  }
0xaf: {  	[dreg:$0x3] =	wrdreg s24  }
0xb0: {  	[dreg:$0x4] =	wrdreg $0x98000  }
0xb1: {  	[dreg:$0x5] =	wrdreg $0x9  }
0xb2: {  	_ =	task.clear_ibuf [dreg:s7], $0x6FFFF;
	_ =	strace $0x90000046  }
0xb3: {  	s29 =	simm.s32 $0x9;
	_ =	strace $0x80000048  }
0xb4: {  	_ =	swait.ge [sflag:s29], $0x1  }
0xb5: {  	[sflag:s29] =	ssyncadd.s32 $0xFFFFFFFF  }
0xb6: {  	_ =	strace $0x90000048  }
0xb7: {  	_ =	sfence  }
0xb8: {  	s30 =	sld [smem:$0x0];
	_ =	sdelay $0x2  }
0xb9: {  	s31 =	sshll.u32 s1, $0xD;
	s1 =	sshrl.u32 s1, $0x2  }
0xba: {  	s3 =	sand.u32 $0x4000, s31;
	s1 =	sadd.s32 s1, s30  }
0xbb: {  	s0 =	sor.u32 s3, s0;
	s1 =	sshll.u32 s1, $0x11  }
0xbc: {  	s0 =	sor.u32 s1, s0  }
0xbd: {  	s0 =	sadd.s32 $0x8F2B, s0  }
0xbe: {  	[sflag:s0] =	ssyncadd.remote.s32 $0x1  }
0xbf: {  	_ =	sfence.sel $0xFFFF  }
0xc0: {  	[dreg:$0x0] =	wrdreg $0xFFFFFFFF;
	(pc) =	sbr.abs _section_cstart, $3  }
0xc1: {  	[dreg:$0x1] =	wrdreg $0xFFFFFFFF  }
0xc2: {  	_ =	task.clear_ibuf [dreg:s7], $0x2FFFF;
	_ =	strace $0x9FFFFFFF  }
0xc3: {  	(tm) =	ssettm $0x7FFFFFFF  }
tec
execute0_lowered:
.L_overlay_start_1:
0x0: {  	(tag) =	ssettag $0x1  }
0x1: {  	s1 =	rddreg [dreg:$0x0]  }
0x2: {  	s8 =	rddreg [dreg:$0x1]  }
0x3: {  	s2 =	rddreg [dreg:$0x2];
	s3 =	simm.s32 $0x0;
	s6 =	srdreg.scid  }
0x4: {  	s0 =	stileid.u32;
	s18 =	simm.s32 $0x2000;
	s19 =	simm.s32 $0x80  }
0x5: {  	s20 =	simm.s32 $0x4800;
	s21 =	simm.s32 $0x100;
	s22 =	simm.s32 $0x7000  }
0x6: {  	s23 =	simm.s32 $0x1;
	[smem:$0x7FF] =	sst s3;
	s5 =	sadd.s32 $0x15C00, s8  }
0x7: {  	s9 =	sand.u32 $0x1, s6;
	s6 =	sadd.s32 $0x1C00, s8;
	s11 =	smul.u32 $0x50000, s0  }
0x8: {  	s7 =	sadd.s32 $0x29C00, s8;
	s14 =	sadd.s32 $0x2C400, s8;
	s28 =	smul.u32 $0x2800, s0  }
0x9: {  	s29 =	sshll.u32 s0, $0x1;
	s17 =	sadd.s32 $0x12C000, s2;
	p0 =	seq.s32 s0, $0xF  }
0xa: {  	_ =	strace $0x80000047;
	s10 =	ssub.s32 $0x2, s9;
	s13 =	smul.u32 $0x27100, s9  }
0xb: {  	s15 =	smul.u32 $0x138800, s9;
	s8 =	sor.u32 s9, s29;
	s12 =	sshrl.u32 s10, $0x1  }
0xc: {  	s11 =	sshrl.u32 s11, $0x2;
	s8 =	smul.u32 $0x5000, s8;
	s12 =	ssub.s32 s10, s12  }
0xd: {  	s16 =	sadd.s32 s11, s2;
	s30 =	sadd.s32 s28, s13;
	s31 =	sshrl.u32 s15, $0x3  }
0xe: {  	s13 =	sshll.u32 @!p0 s0, $0x6;
	s15 =	simm.s32 $0x4;
	s4 =	sadd.s32 s14, s30  }
0xf: {  	s10 =	sadd.s32 s14, s31;
	s11 =	smax.u32 s12, $0x1;
	s12 =	sshrl.u32 @p0 s17, $0x3  }
0x10: {  	s13 =	sor.u32 @!p0 $0x1C04, s13;
	s14 =	sshrl.u32 @!p0 s16, $0x3;
	s16 =	simm.s32 $0x1000  }
0x11: {  	s17 =	simm.s32 $0x50;
	[dreg:$0x4] =	wrdreg s4;
	s10 =	sadd.s32 $0x25800, s10  }
.LBB2_1:
0x12: {  	s24 =	simm.s32 @p0 $0x1FC4  }
0x13: {  	[spmem:s12], [sflag:s24] =	dma.local @p0 [hbm:s7], $0x1980  }
0x14: {  	s24 =	simm.s32 @p0 $0x4  }
0x15: {  	_ =	swait.ge @p0 [sflag:s24], $0x1980  }
0x16: {  	[sflag:s24] =	ssyncset.done @p0 $0x0  }
0x17: {  	[sflag:s24] =	ssyncadd.s32 @p0 $0xFFFFE680;
	s24 =	simm.s32 @!p0 $0x4  }
0x18: {  	[spmem:s14], [sflag:s13] =	dma.local @!p0 [hbm:s7], $0x2800  }
0x19: {  	_ =	swait.ge @!p0 [sflag:s24], $0x2800  }
0x1a: {  	[sflag:s24] =	ssyncset.done @!p0 $0x0  }
0x1b: {  	[sflag:s24] =	ssyncadd.s32 @!p0 $0xFFFFD800  }
0x1c: {  	s24 =	simm.s32 $0x0;
	[bflag:$0x0] =	sbarrier.arrive $0xFFFF  }
.LBB2_2:
0x1d: {  	s25 =	sshll.u32 s24, $0xC  }
0x1e: {  	s25 =	sadd.s32 s8, s25  }
0x1f: {  	s26 =	sshrl.u32 s25, $0x3  }
0x20: {  	s25 =	simm.s32 $0x0;
	s28 =	sadd.s32 s5, s26  }
0x21: {  	[tilespmem:s25], [sflag:$0x4] =	stream.linear.gather [hbm4b:s28+s25], $0xC80, $0x38;
	[tilespmem:$0x1D0C0] =	vst v63  }
0x22: {  	_ =	swait.ge [sflag:s15], $0xC80  }
0x23: {  	[sflag:s15] =	ssyncset.done $0x0  }
0x24: {  	s26 =	sadd.s32 s6, s26;
	[sflag:s15] =	ssyncadd.s32 $0xFFFFF380  }
0x25: {  	[tilespmem:s16], [sflag:$0x4] =	stream.linear.gather [hbm4b:s26+s25], $0xC80, $0x38;
	[tilespmem:$0x1D0C0] =	vst v63  }
0x26: {  	_ =	swait.ge [sflag:s15], $0xC80  }
0x27: {  	[sflag:s15] =	ssyncset.done $0x0  }
0x28: {  	[sflag:s15] =	ssyncadd.s32 $0xFFFFF380  }
0x29: {  	[tilespmem:s18], [sflag:$0x1] =	stream.indirect.gather [hbm4b:s1+s17], $0x80, s25, s17, $0xb8;
	[tilespmem:$0x1D0C0] =	vst v63  }
0x2a: {  	_ = 	snop  }
0x2b: {  	[tilespmem:s20], [sflag:$0x2] =	stream.indirect.gather [hbm4b:s1+s17], $0x80, s19, s17, $0xb8;
	[tilespmem:$0x1D0C0] =	vst v63  }
0x2c: {  	s26 =	simm.s32 $0x0  }
0x2d: {  	[tilespmem:s22], [sflag:$0x3] =	stream.indirect.gather [hbm4b:s1+s17], $0x80, s21, s17, $0xb8;
	[tilespmem:$0x1D0C0] =	vst v63  }
.LBB2_3:
0x2e: {  	s28 =	sshra.s32 s25, $0x2  }
0x2f: {  	v0 =	vld [tilespmem:s28+$0x0]  }
0x30: {  	v1 =	vld [tilespmem:s28+$0x1000]  }
0x31: {  	v2 =	vld [tilespmem:s28+$0x10]  }
0x32: {  	v3 =	vld [tilespmem:s28+$0x1010]  }
0x33: {  	v4 =	vld [tilespmem:s28+$0x20]  }
0x34: {  	v5 =	vld [tilespmem:s28+$0x1020]  }
0x35: {  	v6 =	vld [tilespmem:s28+$0x30]  }
0x36: {  	v7 =	vld [tilespmem:s28+$0x1030]  }
0x37: {  	v8 =	vld [tilespmem:s28+$0x40]  }
0x38: {  	v9 =	vld [tilespmem:s28+$0x1040]  }
0x39: {  	vm0 =	veq.s32 v0, v1  }
0x3a: {  	vm12 =	veq.s32 v2, v3;
	v0 =	vsel vm0, $0x2710, v1  }
0x3b: {  	vm13 =	veq.s32 v4, v5;
	v60 =	vsel vm12, $0x2710, v3;
	[tilespmem:s28+$0x1000] =	vst v0  }
0x3c: {  	vm14 =	veq.s32 v6, v7;
	v61 =	vsel vm13, $0x2710, v5;
	[tilespmem:s28+$0x1010] =	vst v60  }
0x3d: {  	vm15 =	veq.s32 v8, v9;
	v62 =	vsel vm14, $0x2710, v7;
	[tilespmem:s28+$0x1020] =	vst v61  }
0x3e: {  	v63 =	vsel vm15, $0x2710, v9;
	[tilespmem:s28+$0x1030] =	vst v62  }
0x3f: {  	[tilespmem:s28+$0x1040] =	vst v63  }
0x40: {  	_ =	swait.ge [sflag:s23], $0x2800  }
0x41: {  	[sflag:s23] =	ssyncset.done $0x0  }
0x42: {  	s28 =	sadd.s32 $0x1000, s28;
	[sflag:s23] =	ssyncadd.s32 $0xFFFFD800  }
0x43: {  	[spmem:s2] =	stream.indirect.scatter.add.f32 [tilespmem:s18], [sflag:$0x4], $0x80, s28, s17, $0xb8;
	[tilespmem:$0x1D0C0] =	vst v63  }
0x44: {  	p1 =	seq.s32 s25, $0x3000;
	_ =	swait.ge [sflag:s15], $0x2800  }
0x45: {  	s29 =	sshra.s32 @!p1 s25, $0x2;
	s31 =	simm.s32 @!p1 $0x2000;
	[sflag:s15] =	ssyncset.done $0x0  }
0x46: {  	s30 =	sadd.s32 @!p1 $0x180, s29;
	s28 =	simm.s32 @!p1 $0x50;
	[sflag:s15] =	ssyncadd.s32 $0xFFFFD800  }
0x47: {  	[tilespmem:s31], [sflag:$0x1] =	stream.indirect.gather @!p1 [hbm4b:s1+s28], $0x80, s30, s28, $0xb8;
	[tilespmem:$0x1D0C0] =	vst v63  }
0x48: {  	v0 =	vld @!p1 [tilespmem:s29+$0x80]  }
0x49: {  	v1 =	vld @!p1 [tilespmem:s29+$0x1080]  }
0x4a: {  	v2 =	vld @!p1 [tilespmem:s29+$0x90]  }
0x4b: {  	v3 =	vld @!p1 [tilespmem:s29+$0x1090]  }
0x4c: {  	v4 =	vld @!p1 [tilespmem:s29+$0xA0]  }
0x4d: {  	v5 =	vld @!p1 [tilespmem:s29+$0x10A0]  }
0x4e: {  	v6 =	vld @!p1 [tilespmem:s29+$0xB0]  }
0x4f: {  	v7 =	vld @!p1 [tilespmem:s29+$0x10B0]  }
0x50: {  	v8 =	vld @!p1 [tilespmem:s29+$0xC0]  }
0x51: {  	v9 =	vld @!p1 [tilespmem:s29+$0x10C0]  }
0x52: {  	vm0 =	veq.s32 @!p1 v0, v1  }
0x53: {  	v0 =	vsel @!p1 vm0, $0x2710, v1;
	vm0 =	veq.s32 @!p1 v2, v3  }
0x54: {  	[tilespmem:s29+$0x1080] =	vst @!p1 v0;
	v0 =	vsel @!p1 vm0, $0x2710, v3;
	vm0 =	veq.s32 @!p1 v4, v5  }
0x55: {  	[tilespmem:s29+$0x1090] =	vst @!p1 v0;
	v0 =	vsel @!p1 vm0, $0x2710, v5;
	vm0 =	veq.s32 @!p1 v6, v7  }
0x56: {  	[tilespmem:s29+$0x10A0] =	vst @!p1 v0;
	v0 =	vsel @!p1 vm0, $0x2710, v7;
	vm0 =	veq.s32 @!p1 v8, v9  }
0x57: {  	[tilespmem:s29+$0x10B0] =	vst @!p1 v0;
	v0 =	vsel @!p1 vm0, $0x2710, v9  }
0x58: {  	s30 =	simm.s32 @!p1 $0x2;
	[tilespmem:s29+$0x10C0] =	vst @!p1 v0  }
0x59: {  	_ =	swait.ge @!p1 [sflag:s30], $0x2800  }
0x5a: {  	[sflag:s30] =	ssyncset.done @!p1 $0x0  }
0x5b: {  	s31 =	sadd.s32 @!p1 $0x1080, s29;
	[sflag:s30] =	ssyncadd.s32 @!p1 $0xFFFFD800;
	s30 =	simm.s32 @!p1 $0x4800  }
0x5c: {  	[spmem:s2] =	stream.indirect.scatter.add.f32 @!p1 [tilespmem:s30], [sflag:$0x4], $0x80, s31, s28, $0xb8;
	[tilespmem:$0x1D0C0] =	vst v63  }
0x5d: {  	p2 =	sgt.u32 @!p1 s26, $0x6;
	s30 =	simm.s32 @!p1 $0x4  }
0x5e: {  	p2 =	por p2, p1;
	_ =	swait.ge @!p1 [sflag:s30], $0x2800  }
0x5f: {  	s4 =	simm.s32 @!p2 $0x50;
	s31 =	sshra.s32 @!p2 s25, $0x2;
	[sflag:s30] =	ssyncset.done @!p1 $0x0  }
0x60: {  	s9 =	simm.s32 @!p2 $0x4800;
	s0 =	sadd.s32 @!p2 $0x200, s31;
	[sflag:s30] =	ssyncadd.s32 @!p1 $0xFFFFD800  }
0x61: {  	[tilespmem:s9], [sflag:$0x2] =	stream.indirect.gather @!p2 [hbm4b:s1+s4], $0x80, s0, s4, $0xb8;
	[tilespmem:$0x1D0C0] =	vst v63  }
0x62: {  	v0 =	vld @!p1 [tilespmem:s29+$0x100]  }
0x63: {  	v1 =	vld @!p1 [tilespmem:s29+$0x1100]  }
0x64: {  	v2 =	vld @!p1 [tilespmem:s29+$0x110]  }
0x65: {  	v3 =	vld @!p1 [tilespmem:s29+$0x1110]  }
0x66: {  	v4 =	vld @!p1 [tilespmem:s29+$0x120]  }
0x67: {  	v5 =	vld @!p1 [tilespmem:s29+$0x1120]  }
0x68: {  	v6 =	vld @!p1 [tilespmem:s29+$0x130]  }
0x69: {  	v7 =	vld @!p1 [tilespmem:s29+$0x1130]  }
0x6a: {  	v8 =	vld @!p1 [tilespmem:s29+$0x140]  }
0x6b: {  	v9 =	vld @!p1 [tilespmem:s29+$0x1140]  }
0x6c: {  	vm0 =	veq.s32 @!p1 v0, v1  }
0x6d: {  	v0 =	vsel @!p1 vm0, $0x2710, v1;
	vm0 =	veq.s32 @!p1 v2, v3  }
0x6e: {  	[tilespmem:s29+$0x1100] =	vst @!p1 v0;
	v0 =	vsel @!p1 vm0, $0x2710, v3;
	vm0 =	veq.s32 @!p1 v4, v5  }
0x6f: {  	[tilespmem:s29+$0x1110] =	vst @!p1 v0;
	v0 =	vsel @!p1 vm0, $0x2710, v5;
	vm0 =	veq.s32 @!p1 v6, v7  }
0x70: {  	[tilespmem:s29+$0x1120] =	vst @!p1 v0;
	v0 =	vsel @!p1 vm0, $0x2710, v7;
	vm0 =	veq.s32 @!p1 v8, v9  }
0x71: {  	[tilespmem:s29+$0x1130] =	vst @!p1 v0;
	v0 =	vsel @!p1 vm0, $0x2710, v9  }
0x72: {  	s0 =	simm.s32 @!p1 $0x3;
	[tilespmem:s29+$0x1140] =	vst @!p1 v0  }
0x73: {  	_ =	swait.ge @!p1 [sflag:s0], $0x2800  }
0x74: {  	[sflag:s0] =	ssyncset.done @!p1 $0x0  }
0x75: {  	s9 =	sadd.s32 @!p1 $0x1100, s29;
	[sflag:s0] =	ssyncadd.s32 @!p1 $0xFFFFD800;
	s0 =	simm.s32 @!p1 $0x7000  }
0x76: {  	[spmem:s2] =	stream.indirect.scatter.add.f32 @!p1 [tilespmem:s0], [sflag:$0x4], $0x80, s9, s28, $0xb8;
	[tilespmem:$0x1D0C0] =	vst v63  }
0x77: {  	_ =	swait.ge @!p1 [sflag:s30], $0x2800  }
0x78: {  	s25 =	sadd.s32 @!p1 $0x600, s25;
	[sflag:s30] =	ssyncset.done @!p1 $0x0  }
0x79: {  	s0 =	sadd.s32 @!p2 $0x280, s31;
	s9 =	simm.s32 @!p2 $0x7000;
	[sflag:s30] =	ssyncadd.s32 @!p1 $0xFFFFD800  }
0x7a: {  	[tilespmem:s9], [sflag:$0x3] =	stream.indirect.gather @!p2 [hbm4b:s1+s4], $0x80, s0, s4, $0xb8;
	[tilespmem:$0x1D0C0] =	vst v63  }
0x7b: {  	p2 =	sne.s32 @!p1 s25, $0x3600  }
0x7c: {  	p2 =	por p1, !p2  }
.Ltmp0:
0x7d: {  	_ = 	snop;
	(pc) =	sbr.rel @!p2 .LBB2_3-.Ltmp0, $2  }
0x7e: {  	_ =	sdelay $0x2  }
0x7f: {  	s26 =	sadd.s32 @!p1 $0x1, s26  }
0x80: {  	s24 =	sadd.s32 $0x1, s24  }
0x81: {  	p1 =	sne.s32 s24, $0x5  }
.Ltmp1:
0x82: {  	_ = 	snop;
	(pc) =	sbr.rel @p1 .LBB2_2-.Ltmp1, $1  }
0x83: {  	_ =	sdelay $0x3  }
0x84: {  	[bflag:$0x0] =	sbarrier.arrive $0xFFFF;
	s0 =	simm.s32 @p0 $0x1FC4  }
0x85: {  	[hbm:s10], [sflag:s0] =	dma.local @p0 [spmem:s12], $0x1900  }
0x86: {  	s0 =	simm.s32 @p0 $0x4  }
0x87: {  	_ =	swait.ge @p0 [sflag:s0], $0x1900  }
0x88: {  	s3 =	sadd.s32 $0x1, s3;
	[sflag:s0] =	ssyncset.done @p0 $0x0  }
0x89: {  	p1 =	sne.s32 s3, s11;
	[sflag:s0] =	ssyncadd.s32 @p0 $0xFFFFE700;
	s0 =	rddreg [dreg:$0x4]  }
0x8a: {  	[hbm:s0], [sflag:s13] =	dma.local @!p0 [spmem:s14], $0x2800  }
.Ltmp2:
0x8b: {  	_ = 	snop;
	(pc) =	sbr.rel @p1 .LBB2_1-.Ltmp2, $4  }
0x8c: {  	s0 =	simm.s32 @!p0 $0x4  }
0x8d: {  	_ =	swait.ge @!p0 [sflag:s0], $0x2800  }
0x8e: {  	[sflag:s0] =	ssyncset.done @!p0 $0x0  }
0x8f: {  	[sflag:s0] =	ssyncadd.s32 @!p0 $0xFFFFD800  }
0x90: {  	_ =	sfence.sel $0x180000  }
0x91: {  	[bflag:$0x0] =	sbarrier.arrive $0xFFFF  }
0x92: {  	_ =	strace $0x90000047  }
0x93: {  	s0 =	stileid.u32;
	[bflag:$0x2] =	sbarrier.arrive $0xFFFF  }
0x94: {  	p0 =	sne.s32 s0, $0x0;
	s0 =	rddreg [dreg:$0x3]  }
0x95: {  	s0 =	sadd.s32 @!p0 $0x100000, s0  }
0x96: {  	[sflag:s0] =	ssyncadd.tile.s32 @!p0 $0x1;
	_ =	shalt  }
.Lfunc_end2:
_tile_overlayer_lowered:
.L_overlay_start_2:
0x97: {  	(tag) =	ssettag $0x2  }
0x98: {  	s0 =	rddreg [dreg:$0x0];
	s2 =	stileid.u32  }
0x99: {  	s1 =	rddreg [dreg:$0x1];
	p0 =	sne.s32 s2, $0x0  }
0x9a: {  	s3 =	rddreg [dreg:$0x2];
	[bflag:$0x3] =	sbarrier.arrive $0xFFFF;
	s2 =	simm.s32 @!p0 $0x1C04  }
0x9b: {  	[timem:s3], [sflag:s2] =	dma.local @!p0 [hbm:s0], s1  }
0x9c: {  	s0 =	simm.s32 @!p0 $0x4  }
0x9d: {  	_ =	swait.ge @!p0 [sflag:s0], s1  }
0x9e: {  	s1 =	ssub.s32 @!p0 $0x0, s1;
	[sflag:s0] =	ssyncset.done @!p0 $0x0  }
0x9f: {  	[sflag:s0] =	ssyncadd.s32 @!p0 s1  }
0xa0: {  	[bflag:$0x3] =	sbarrier.arrive $0xFFFF  }
0xa1: {  	_ =	shalt  }

</sc_bundles>
